<compile_context>
chip_gen: v7x
topology: tpu7x:2x2x1
jax: 0.10.2.dev20260603
libtpu: 0.0.44.dev20260713+nightly
codegen_flags: <defaults>
</compile_context>

<pallas_src>
import functools
import math

import jax
import jax.numpy as jnp
from jax import lax
from jax.experimental import pallas as pl
from jax.experimental.pallas import tpu as pltpu
from jax.experimental.pallas import tpu_sc as plsc

_SCORE_T = 0.05
_NMS_T = 0.5
_DETS = 100
_MINSZ = 0.01
_CLIP = float(math.log(1000.0 / 16.0))
_TOPK = 1000
_K = 1024
_W = 32
_ONE_BITS = 1065353216


def _stage1(num_classes, hw_ref, lg_ref, dx_ref, dy_ref, dw_ref, dh_ref,
            pr_ref, ms_ref, x1_ref, y1_ref, x2_ref, y2_ref, mx_ref):
    wf = hw_ref[0, 0]
    hf = hw_ref[0, 1]
    p = pr_ref[:]
    pw = p[:, 2:3] - p[:, 0:1]
    ph = p[:, 3:4] - p[:, 1:2]
    cx = p[:, 0:1] + 0.5 * pw
    cy = p[:, 1:2] + 0.5 * ph
    lg = lg_ref[:]
    m = jnp.max(lg, axis=1, keepdims=True)
    e = jnp.exp(lg - m)
    s = e / jnp.sum(e, axis=1, keepdims=True)
    dx = dx_ref[:] / 10.0
    dy = dy_ref[:] / 10.0
    dw = jnp.minimum(dw_ref[:] / 5.0, _CLIP)
    dh = jnp.minimum(dh_ref[:] / 5.0, _CLIP)
    px = dx * pw + cx
    py = dy * ph + cy
    bw = jnp.exp(dw) * pw
    bh = jnp.exp(dh) * ph
    x1 = jnp.clip(px - 0.5 * bw, 0.0, wf)
    y1 = jnp.clip(py - 0.5 * bh, 0.0, hf)
    x2 = jnp.clip(px + 0.5 * bw, 0.0, wf)
    y2 = jnp.clip(py + 0.5 * bh, 0.0, hf)
    colid = jax.lax.broadcasted_iota(jnp.int32, lg.shape, 1)
    clsm = (colid >= 1) & (colid < num_classes)
    valid = (s > _SCORE_T) & (x2 - x1 >= _MINSZ) & (y2 - y1 >= _MINSZ) & clsm
    ms_ref[:] = jnp.where(valid, s, -1.0)
    x1_ref[:] = x1
    y1_ref[:] = y1
    x2_ref[:] = x2
    y2_ref[:] = y2
    big = jnp.maximum(jnp.maximum(x1, x2), jnp.maximum(y1, y2))
    cur = jnp.max(jnp.where(clsm, big, -jnp.inf), axis=0, keepdims=True)

    @pl.when(pl.program_id(0) == 0)
    def _init():
        mx_ref[:] = cur

    @pl.when(pl.program_id(0) != 0)
    def _acc():
        mx_ref[:] = jnp.maximum(mx_ref[:], cur)


def _threshold(ms_ref, t_ref, xt_ref):
    msv = ms_ref[:]

    def count_gt(bits):
        tv = jax.lax.bitcast_convert_type(
            jnp.full((1, 128), bits, jnp.int32), jnp.float32)
        return jnp.sum((msv > tv).astype(jnp.int32))

    c0 = count_gt(jnp.int32(0))

    def bits_body(_, carry):
        lo, hi = carry
        mid = (lo + hi) // 2
        c = count_gt(mid)
        take_hi = c >= _TOPK
        return jnp.where(take_hi, mid, lo), jnp.where(take_hi, hi, mid)

    _, hi_bits = lax.fori_loop(
        0, 31, bits_body, (jnp.int32(0), jnp.int32(_ONE_BITS)))
    t_bits = jnp.where(c0 <= _TOPK, jnp.int32(0), hi_bits)
    tv = jax.lax.bitcast_convert_type(
        jnp.full((1, 128), t_bits, jnp.int32), jnp.float32)
    m_cnt = jnp.sum((msv > tv).astype(jnp.int32))
    e_need = _TOPK - m_cnt
    eq = msv == tv
    fl = (jax.lax.broadcasted_iota(jnp.int32, msv.shape, 0) * 128
          + jax.lax.broadcasted_iota(jnp.int32, msv.shape, 1))

    def idx_body(_, carry):
        lo, hi = carry
        mid = (lo + hi) // 2
        c = jnp.sum((eq & (fl <= mid)).astype(jnp.int32))
        take_hi = c >= e_need
        return jnp.where(take_hi, lo, mid), jnp.where(take_hi, mid, hi)

    ntot = msv.shape[0] * msv.shape[1]
    _, xt_hi = lax.fori_loop(
        0, 21, idx_body, (jnp.int32(-1), jnp.int32(ntot - 1)))
    xt = jnp.where(c0 <= _TOPK, jnp.int32(-1), xt_hi)
    t_ref[:] = tv
    xt_ref[:] = jnp.full((1, 128), xt)


def _sc_body(ms_hbm, t_hbm, xt_hbm, lists_hbm, cnts_hbm,
             in_v, out_v, t_v, xt_v, cnt_v):
    nper = 20000
    wid = lax.axis_index("s") * 2 + lax.axis_index("c")
    base = wid * nper
    pltpu.sync_copy(ms_hbm.at[pl.ds(base, nper)], in_v)
    pltpu.sync_copy(t_hbm, t_v)
    pltpu.sync_copy(xt_hbm, xt_v)
    tvec = t_v[...]
    xtvec = xt_v[...]
    lane = jax.lax.iota(jnp.int32, 16)
    lane_base = lane * _K

    def it(i, pos):
        v = in_v[pl.ds(i * 16, 16)]
        gi = lane + (base + i * 16)
        m = (v > tvec) | ((v == tvec) & (gi <= xtvec))
        dst = jnp.where(m, lane_base + pos, 16 * _K + lane)
        plsc.store_scatter(out_v, [dst], gi)
        return pos + jnp.where(m, 1, 0)

    pos = lax.fori_loop(0, nper // 16, it, jnp.zeros((16,), jnp.int32))
    cnt_v[...] = pos
    pltpu.sync_copy(cnt_v, cnts_hbm.at[pl.ds(wid * 16, 16)])
    pltpu.sync_copy(out_v.at[pl.ds(0, 16 * _K)],
                    lists_hbm.at[pl.ds(wid * 16 * _K, 16 * _K)])


def _stage2(mx_ref, scc_ref, scr_ref, x1c_ref, y1c_ref, x2c_ref, y2c_ref,
            x1r_ref, y1r_ref, x2r_ref, y2r_ref, lc_ref, lr_ref,
            fic_ref, fir_ref, kept_ref):
    off = mx_ref[0, 0] + 1.0
    oc = lc_ref[:] * off
    orow = lr_ref[:] * off
    rx1 = x1c_ref[:] + oc
    ry1 = y1c_ref[:] + oc
    rx2 = x2c_ref[:] + oc
    ry2 = y2c_ref[:] + oc
    cx1 = x1r_ref[:] + orow
    cy1 = y1r_ref[:] + orow
    cx2 = x2r_ref[:] + orow
    cy2 = y2r_ref[:] + orow
    area_c = (rx2 - rx1) * (ry2 - ry1)
    area_r = (cx2 - cx1) * (cy2 - cy1)
    iw = jnp.maximum(jnp.minimum(rx2, cx2) - jnp.maximum(rx1, cx1), 0.0)
    ih = jnp.maximum(jnp.minimum(ry2, cy2) - jnp.maximum(ry1, cy1), 0.0)
    inter = iw * ih
    iou = inter / (area_c + area_r - inter + 1e-9)
    hit = iou > _NMS_T
    scc = scc_ref[:]
    scr = scr_ref[:]
    fic = fic_ref[:]
    fir = fir_ref[:]
    prec_fwd = (scc > scr) | ((scc == scr) & (fic < fir))
    prec_bwd = (scr > scc) | ((scr == scc) & (fir < fic))
    sup_fwd = jnp.where(hit & prec_fwd, 1.0, 0.0)
    sup_bwd = jnp.where(hit & prec_bwd, 1.0, 0.0)
    validc = scc > 0.0
    validr = scr > 0.0
    k0 = jnp.where(validc, 1.0, 0.0)

    def body(carry):
        k, _, t = carry
        srow = jnp.sum(sup_fwd * k, axis=0, keepdims=True)
        krow = jnp.where(validr & (srow < 0.5), 1.0, 0.0)
        scol = jnp.sum(sup_bwd * krow, axis=1, keepdims=True)
        knew = jnp.where(validc & (scol < 0.5), 1.0, 0.0)
        return knew, jnp.any(knew != k), t + 1

    def cond(carry):
        _, changed, t = carry
        return changed & (t < _K)

    kfin, _, _ = jax.lax.while_loop(
        cond, body, (k0, jnp.bool_(True), jnp.int32(0)))
    kept_ref[:] = jnp.where(kfin > 0.5, scc, -1.0)


def kernel(class_logits, box_regression, proposals, image_h, image_w):
    N, C = class_logits.shape
    CP = 128
    R = 1000
    G = N // R
    f32 = jnp.float32
    i32 = jnp.int32

    wf = jnp.asarray(image_w, f32)
    hf = jnp.asarray(image_h, f32)
    hw = jnp.stack([wf, hf]).reshape(1, 2)

    lg = jnp.pad(class_logits, ((0, 0), (0, CP - C)), constant_values=-1e30)
    rel = box_regression.reshape(N, C, 4)
    padc = lambda a: jnp.pad(a, ((0, 0), (0, CP - C)))
    dx = padc(rel[:, :, 0])
    dy = padc(rel[:, :, 1])
    dw = padc(rel[:, :, 2])
    dh = padc(rel[:, :, 3])

    row_spec = pl.BlockSpec((R, CP), lambda i: (i, 0))
    ms, x1, y1, x2, y2, mx = pl.pallas_call(
        lambda *refs: _stage1(C, *refs),
        grid=(G,),
        in_specs=[
            pl.BlockSpec((1, 2), lambda i: (0, 0)),
            row_spec, row_spec, row_spec, row_spec, row_spec,
            pl.BlockSpec((R, 4), lambda i: (i, 0)),
        ],
        out_specs=[
            row_spec, row_spec, row_spec, row_spec, row_spec,
            pl.BlockSpec((1, CP), lambda i: (0, 0)),
        ],
        out_shape=[
            jax.ShapeDtypeStruct((N, CP), f32),
            jax.ShapeDtypeStruct((N, CP), f32),
            jax.ShapeDtypeStruct((N, CP), f32),
            jax.ShapeDtypeStruct((N, CP), f32),
            jax.ShapeDtypeStruct((N, CP), f32),
            jax.ShapeDtypeStruct((1, CP), f32),
        ],
    )(hw, lg, dx, dy, dw, dh, proposals)
    mx = jnp.max(mx).reshape(1, 1)

    t_arr, xt_arr = pl.pallas_call(
        _threshold,
        out_shape=[
            jax.ShapeDtypeStruct((1, CP), f32),
            jax.ShapeDtypeStruct((1, CP), i32),
        ],
    )(ms)
    t16 = jnp.broadcast_to(t_arr[0, :16], (16,))
    xt16 = jnp.broadcast_to(xt_arr[0, :16], (16,))

    mesh = plsc.VectorSubcoreMesh(core_axis_name="c", subcore_axis_name="s")
    sc_compact = functools.partial(
        pl.kernel,
        mesh=mesh,
        compiler_params=pltpu.CompilerParams(needs_layout_passes=False),
        out_type=[
            jax.ShapeDtypeStruct((_W * 16 * _K,), i32),
            jax.ShapeDtypeStruct((_W * 16,), i32),
        ],
        scratch_types=[
            pltpu.VMEM((20000,), f32),
            pltpu.VMEM((16 * _K + 16,), i32),
            pltpu.VMEM((16,), f32),
            pltpu.VMEM((16,), i32),
            pltpu.VMEM((16,), i32),
        ],
    )(_sc_body)
    lists_o, cnts_o = sc_compact(ms.reshape(-1), t16, xt16)

    nlists = _W * 16
    cnts = cnts_o
    ends = jnp.cumsum(cnts)
    total = ends[nlists - 1]
    r = jnp.arange(_K, dtype=i32)
    w = jnp.sum((ends[None, :] <= r[:, None]).astype(i32), axis=1)
    wc = jnp.minimum(w, nlists - 1)
    starts = ends[wc] - cnts[wc]
    src = wc * _K + (r - starts)
    valid_r = r < total
    flatidx = jnp.where(valid_r, lists_o[jnp.where(valid_r, src, 0)], 0)

    sc1024 = ms.reshape(-1)[flatidx]
    labels = flatidx % CP
    bx1 = x1.reshape(-1)[flatidx]
    by1 = y1.reshape(-1)[flatidx]
    bx2 = x2.reshape(-1)[flatidx]
    by2 = y2.reshape(-1)[flatidx]

    col = lambda v: v.reshape(_K, 1)
    row = lambda v: v.reshape(1, _K)
    col_spec = pl.BlockSpec((_K, 1), lambda: (0, 0))
    row_sp = pl.BlockSpec((1, _K), lambda: (0, 0))
    kept = pl.pallas_call(
        _stage2,
        in_specs=[
            pl.BlockSpec((1, 1), lambda: (0, 0)),
            col_spec, row_sp,
            col_spec, col_spec, col_spec, col_spec,
            row_sp, row_sp, row_sp, row_sp,
            col_spec, row_sp,
            col_spec, row_sp,
        ],
        out_specs=col_spec,
        out_shape=jax.ShapeDtypeStruct((_K, 1), f32),
    )(mx, col(sc1024), row(sc1024),
      col(bx1), col(by1), col(bx2), col(by2),
      row(bx1), row(by1), row(bx2), row(by2),
      col(labels.astype(f32)), row(labels.astype(f32)),
      col(flatidx), row(flatidx))

    kept_s = kept.reshape(-1)
    final_scores, fidx = jax.lax.top_k(kept_s, _DETS)
    fb = jnp.stack([bx1[fidx], by1[fidx], bx2[fidx], by2[fidx]], axis=-1)
    fl = labels[fidx]
    fvalid = final_scores > 0.0
    areas = (fb[:, 2] - fb[:, 0]) * (fb[:, 3] - fb[:, 1])
    fvalid = fvalid & (areas >= 0.0)
    final_boxes = jnp.where(fvalid[:, None], fb, 0.0)
    final_scores = jnp.where(fvalid, final_scores, 0.0)
    final_labels = jnp.where(fvalid, fl, 0)
    return final_boxes, final_scores, final_labels

# --- scband reference (transcript-rebuilt; emitter-appended) ---
"""Pipeline reference for scband-box-predictor-65781719106273 (READ-ONLY COPY).

The authoritative reference and input builder live on the scoring server;
editing this copy changes nothing except your own understanding.
"""

import jax, jax.numpy as jnp
import numpy as np

SCORE_THRESH = 0.05
NMS_THRESH = 0.5
DETS_PER_IMG = 100
MIN_SIZE = 0.01
AREA_THRESH = 0.0
WEIGHTS = (10.0, 10.0, 5.0, 5.0)
BBOX_XFORM_CLIP = float(np.log(1000.0 / 16.0))
PRE_NMS_TOPK = 1000


def setup_inputs(seed: int = 0) -> dict:
    key = jax.random.key(seed)
    k1, k2, k3, k4 = jax.random.split(key, 4)
    N, C = 5000, 91
    class_logits = jax.random.normal(k1, (N, C), dtype=jnp.float32)
    box_regression = jax.random.normal(k2, (N, C * 4), dtype=jnp.float32)
    x1y1 = jax.random.uniform(k3, (N, 2), dtype=jnp.float32, minval=0.0, maxval=400.0)
    wh = jax.random.uniform(k4, (N, 2), dtype=jnp.float32, minval=10.0, maxval=110.0)
    proposals = jnp.concatenate([x1y1, x1y1 + wh], axis=1)
    return {"class_logits": class_logits, "box_regression": box_regression, "proposals": proposals, "image_h": 512, "image_w": 512}


def _decode(rel_codes, proposals):
    widths = proposals[:, 2] - proposals[:, 0]
    heights = proposals[:, 3] - proposals[:, 1]
    ctr_x = proposals[:, 0] + 0.5 * widths
    ctr_y = proposals[:, 1] + 0.5 * heights
    wx, wy, ww, wh = WEIGHTS
    rel = rel_codes.reshape(rel_codes.shape[0], -1, 4)
    dx = rel[..., 0] / wx
    dy = rel[..., 1] / wy
    dw = jnp.minimum(rel[..., 2] / ww, BBOX_XFORM_CLIP)
    dh = jnp.minimum(rel[..., 3] / wh, BBOX_XFORM_CLIP)
    pctr_x = dx * widths[:, None] + ctr_x[:, None]
    pctr_y = dy * heights[:, None] + ctr_y[:, None]
    pw = jnp.exp(dw) * widths[:, None]
    ph = jnp.exp(dh) * heights[:, None]
    return jnp.stack([pctr_x - 0.5 * pw, pctr_y - 0.5 * ph, pctr_x + 0.5 * pw, pctr_y + 0.5 * ph], axis=-1)


def _iou_matrix(boxes):
    area = (boxes[:, 2] - boxes[:, 0]) * (boxes[:, 3] - boxes[:, 1])
    lt = jnp.maximum(boxes[:, None, :2], boxes[None, :, :2])
    rb = jnp.minimum(boxes[:, None, 2:], boxes[None, :, 2:])
    wh = jnp.maximum(rb - lt, 0.0)
    inter = wh[..., 0] * wh[..., 1]
    return inter / (area[:, None] + area[None, :] - inter + 1e-9)


def _postprocess(class_logits, box_regression, proposals, image_h, image_w):
    N, C = class_logits.shape
    boxes = _decode(box_regression, proposals)  # [N, C, 4]
    scores = jax.nn.softmax(class_logits, axis=-1)  # [N, C]
    w_f = jnp.asarray(image_w, dtype=jnp.float32)
    h_f = jnp.asarray(image_h, dtype=jnp.float32)
    boxes = jnp.stack([
        jnp.clip(boxes[..., 0], 0.0, w_f),
        jnp.clip(boxes[..., 1], 0.0, h_f),
        jnp.clip(boxes[..., 2], 0.0, w_f),
        jnp.clip(boxes[..., 3], 0.0, h_f),
    ], axis=-1)
    labels = jnp.broadcast_to(jnp.arange(C, dtype=jnp.int32)[None, :], (N, C))
    boxes = boxes[:, 1:, :].reshape(-1, 4)
    scores = scores[:, 1:].reshape(-1)
    labels = labels[:, 1:].reshape(-1)
    valid = scores > SCORE_THRESH
    ws = boxes[:, 2] - boxes[:, 0]
    hs = boxes[:, 3] - boxes[:, 1]
    valid = valid & (ws >= MIN_SIZE) & (hs >= MIN_SIZE)
    masked = jnp.where(valid, scores, -1.0)
    top_scores, idx = jax.lax.top_k(masked, PRE_NMS_TOPK)
    cand_boxes = boxes[idx]
    cand_labels = labels[idx]
    cand_valid = top_scores > 0.0
    max_coord = jnp.max(boxes)
    off_boxes = cand_boxes + (cand_labels.astype(boxes.dtype) * (max_coord + 1.0))[:, None]
    iou = _iou_matrix(off_boxes)
    K = PRE_NMS_TOPK
    ar = jnp.arange(K)

    def body(suppressed, i):
        keep_i = jnp.logical_and(jnp.logical_not(suppressed[i]), cand_valid[i])
        suppressed = suppressed | (keep_i & (iou[i] > NMS_THRESH) & (ar > i))
        return suppressed, keep_i

    _, keep = jax.lax.scan(body, jnp.zeros((K,), dtype=bool), ar)
    kept_scores = jnp.where(keep, top_scores, -1.0)
    final_scores, fidx = jax.lax.top_k(kept_scores, DETS_PER_IMG)
    final_boxes = cand_boxes[fidx]
    final_labels = cand_labels[fidx]
    fvalid = final_scores > 0.0
    areas = (final_boxes[:, 2] - final_boxes[:, 0]) * (final_boxes[:, 3] - final_boxes[:, 1])
    fvalid = fvalid & (areas >= AREA_THRESH)
    final_boxes = jnp.where(fvalid[:, None], final_boxes, 0.0)
    final_scores = jnp.where(fvalid, final_scores, 0.0)
    final_labels = jnp.where(fvalid, final_labels, 0)
    return final_boxes, final_scores, final_labels


def reference(class_logits, box_regression, proposals, image_h, image_w):
    return _postprocess(class_logits, box_regression, proposals, image_h, image_w)

if __name__ == "__main__":
    import jax
    _d = setup_inputs()
    print(jax.jit(kernel)(*tuple(_d.values())))

</pallas_src>

<mosaic_0001>
#map = affine_map<(d0, d1) -> (0)>
module attributes {stable_mosaic.version = 14 : i64} {
  func.func @_sc_body(%arg0: i32, %arg1: i32, %arg2: memref<640000xf32, #tpu.memory_space<hbm>>, %arg3: memref<16xf32, #tpu.memory_space<hbm>>, %arg4: memref<16xi32, #tpu.memory_space<hbm>>, %arg5: memref<524288xi32, #tpu.memory_space<hbm>>, %arg6: memref<512xi32, #tpu.memory_space<hbm>>, %arg7: memref<20000xf32, #tpu.memory_space<vmem>>, %arg8: memref<16400xi32, #tpu.memory_space<vmem>>, %arg9: memref<16xf32, #tpu.memory_space<vmem>>, %arg10: memref<16xi32, #tpu.memory_space<vmem>>, %arg11: memref<16xi32, #tpu.memory_space<vmem>>) attributes {dimension_semantics = [#tpu.dimension_semantics<core_parallel>, #tpu.dimension_semantics<subcore_parallel>], iteration_bounds = array<i64: 2, 16>, scalar_prefetch = 0 : i64, scratch_operands = 5 : i64, tpu.core_type = #tpu.core_type<sc_vector_subcore>, window_params = [{transform_indices = #map}, {transform_indices = #map}, {transform_indices = #map}, {transform_indices = #map}, {transform_indices = #map}]} {
    %mul3A = arith.constant 2 : i32
    %mul3A_0 = arith.muli %arg1, %mul3A : i32
    %add3A = arith.addi %mul3A_0, %arg0 : i32
    %mul3A_1 = arith.constant 20000 : i32
    %mul3A_2 = arith.muli %add3A, %mul3A_1 : i32
    "tpu.region"() ({
      %run_scoped3A = tpu.sem_alloc : memref<!tpu.dma_semaphore, #tpu.memory_space<semaphore_mem>>
      %dma_start3A = tpu.memref_slice %arg2[%mul3A_2] : memref<640000xf32, #tpu.memory_space<hbm>> -> memref<20000xf32, #tpu.memory_space<hbm>>
      %dma_start3A_22 = tpu.memref_slice %arg2[%mul3A_2] : memref<640000xf32, #tpu.memory_space<hbm>> -> memref<20000xf32, #tpu.memory_space<hbm>>
      tpu.enqueue_dma source(%dma_start3A_22 : memref<20000xf32, #tpu.memory_space<hbm>>) target(%arg7 : memref<20000xf32, #tpu.memory_space<vmem>>) target_semaphore(%run_scoped3A : memref<!tpu.dma_semaphore, #tpu.memory_space<semaphore_mem>>)
      %dma_wait3A = tpu.memref_slice %arg2[%mul3A_2] : memref<640000xf32, #tpu.memory_space<hbm>> -> memref<20000xf32, #tpu.memory_space<hbm>>
      %dma_wait3A_23 = tpu.memref_slice %arg2[%mul3A_2] : memref<640000xf32, #tpu.memory_space<hbm>> -> memref<20000xf32, #tpu.memory_space<hbm>>
      tpu.wait_dma2 semaphore(%run_scoped3A : memref<!tpu.dma_semaphore, #tpu.memory_space<semaphore_mem>>) src(%dma_wait3A_23 : memref<20000xf32, #tpu.memory_space<hbm>>) dst(%arg7 : memref<20000xf32, #tpu.memory_space<vmem>>)
      tpu.yield
    }) : () -> ()
    "tpu.region"() ({
      %run_scoped3A = tpu.sem_alloc : memref<!tpu.dma_semaphore, #tpu.memory_space<semaphore_mem>>
      tpu.enqueue_dma source(%arg3 : memref<16xf32, #tpu.memory_space<hbm>>) target(%arg9 : memref<16xf32, #tpu.memory_space<vmem>>) target_semaphore(%run_scoped3A : memref<!tpu.dma_semaphore, #tpu.memory_space<semaphore_mem>>)
      tpu.wait_dma2 semaphore(%run_scoped3A : memref<!tpu.dma_semaphore, #tpu.memory_space<semaphore_mem>>) src(%arg3 : memref<16xf32, #tpu.memory_space<hbm>>) dst(%arg9 : memref<16xf32, #tpu.memory_space<vmem>>)
      tpu.yield
    }) : () -> ()
    "tpu.region"() ({
      %run_scoped3A = tpu.sem_alloc : memref<!tpu.dma_semaphore, #tpu.memory_space<semaphore_mem>>
      tpu.enqueue_dma source(%arg4 : memref<16xi32, #tpu.memory_space<hbm>>) target(%arg10 : memref<16xi32, #tpu.memory_space<vmem>>) target_semaphore(%run_scoped3A : memref<!tpu.dma_semaphore, #tpu.memory_space<semaphore_mem>>)
      tpu.wait_dma2 semaphore(%run_scoped3A : memref<!tpu.dma_semaphore, #tpu.memory_space<semaphore_mem>>) src(%arg4 : memref<16xi32, #tpu.memory_space<hbm>>) dst(%arg10 : memref<16xi32, #tpu.memory_space<vmem>>)
      tpu.yield
    }) : () -> ()
    %get3A = arith.constant 0 : index
    %get3A_3 = tpu.vector_load %arg9[%get3A] {strides = array<i32>} : memref<16xf32, #tpu.memory_space<vmem>>, vector<16xf32>,
    %get3A_4 = arith.constant 0 : index
    %get3A_5 = tpu.vector_load %arg10[%get3A_4] {strides = array<i32>} : memref<16xi32, #tpu.memory_space<vmem>>, vector<16xi32>,
    %iota3A = tpu.iota {dimensions = array<i32: 0>} : vector<16xi32>
    %mul3A_6 = arith.constant 1024 : i32
    %mul3A_7 = vector.broadcast %mul3A_6 : i32 to vector<16xi32>
    %mul3A_8 = arith.muli %iota3A, %mul3A_7 : vector<16xi32>
    %broadcast_in_dim3A = arith.constant 0 : i32
    %broadcast_in_dim3A_9 = vector.broadcast %broadcast_in_dim3A : i32 to vector<16xi32>
    %scan3A = arith.constant 0 : i32
    %scan3A_10 = arith.constant 1250 : i32
    %scan3A_11 = arith.addi %scan3A, %scan3A_10 : i32
    %scan3A_12 = arith.constant 1 : i32
    %scan3A_13 = scf.for %scan3A_22 = %scan3A to %scan3A_11 step %scan3A_12 iter_args(%scan3A_23 = %broadcast_in_dim3A_9) -> (vector<16xi32>)  : i32 {
      %mul3A_24 = arith.constant 16 : i32
      %mul3A_25 = arith.muli %scan3A_22, %mul3A_24 : i32
      %get3A_26 = arith.index_cast %mul3A_25 : i32 to index
      %get3A_27 = tpu.vector_load %arg7[%get3A_26] {strides = array<i32>} : memref<20000xf32, #tpu.memory_space<vmem>>, vector<16xf32>,
      %mul3A_28 = arith.constant 16 : i32
      %mul3A_29 = arith.muli %scan3A_22, %mul3A_28 : i32
      %add3A_30 = arith.addi %mul3A_2, %mul3A_29 : i32
      %add3A_31 = vector.broadcast %add3A_30 : i32 to vector<16xi32>
      %add3A_32 = arith.addi %iota3A, %add3A_31 : vector<16xi32>
      %gt3A = arith.cmpf ogt, %get3A_27, %get3A_3 : vector<16xf32>
      %eq3A = arith.cmpf oeq, %get3A_27, %get3A_3 : vector<16xf32>
      %le3A = arith.cmpi sle, %add3A_32, %get3A_5 : vector<16xi32>
      %and3A = arith.andi %eq3A, %le3A : vector<16xi1>
      %or3A = arith.ori %gt3A, %and3A : vector<16xi1>
      %add3A_33 = arith.addi %mul3A_8, %scan3A_23 : vector<16xi32>
      %add3A_34 = arith.constant 16384 : i32
      %add3A_35 = vector.broadcast %add3A_34 : i32 to vector<16xi32>
      %add3A_36 = arith.addi %add3A_35, %iota3A : vector<16xi32>
      %select_n3A = arith.select %or3A, %add3A_33, %add3A_36 : vector<16xi1>, vector<16xi32>
      tpu.vector_store_idx %arg8[%select_n3A], %add3A_32 : memref<16400xi32, #tpu.memory_space<vmem>>[vector<16xi32>], vector<16xi32>,
      %jit3A = arith.constant 1 : i32
      %jit3A_37 = arith.constant 0 : i32
      %broadcast_in_dim3A_38 = vector.broadcast %jit3A : i32 to vector<16xi32>
      %broadcast_in_dim3A_39 = vector.broadcast %jit3A_37 : i32 to vector<16xi32>
      %select_n3A_40 = arith.select %or3A, %broadcast_in_dim3A_38, %broadcast_in_dim3A_39 : vector<16xi1>, vector<16xi32>
      %add3A_41 = arith.addi %scan3A_23, %select_n3A_40 : vector<16xi32>
      scf.yield %add3A_41 : vector<16xi32>
    }
    %scan3A_14 = arith.constant 1250 : i32
    %swap3A = arith.constant 0 : index
    %swap3A_15 = tpu.vector_load %arg11[%swap3A] {strides = array<i32>} : memref<16xi32, #tpu.memory_space<vmem>>, vector<16xi32>,
    tpu.vector_store %arg11[%swap3A], %scan3A_13 {strides = array<i32>} : memref<16xi32, #tpu.memory_space<vmem>>, vector<16xi32>,
    %mul3A_16 = arith.constant 16 : i32
    %mul3A_17 = arith.muli %add3A, %mul3A_16 : i32
    "tpu.region"() ({
      %run_scoped3A = tpu.sem_alloc : memref<!tpu.dma_semaphore, #tpu.memory_space<semaphore_mem>>
      %dma_start3A = tpu.memref_slice %arg6[%mul3A_17] : memref<512xi32, #tpu.memory_space<hbm>> -> memref<16xi32, #tpu.memory_space<hbm>>
      %dma_start3A_22 = tpu.memref_slice %arg6[%mul3A_17] : memref<512xi32, #tpu.memory_space<hbm>> -> memref<16xi32, #tpu.memory_space<hbm>>
      tpu.enqueue_dma source(%arg11 : memref<16xi32, #tpu.memory_space<vmem>>) target(%dma_start3A_22 : memref<16xi32, #tpu.memory_space<hbm>>) target_semaphore(%run_scoped3A : memref<!tpu.dma_semaphore, #tpu.memory_space<semaphore_mem>>)
      %dma_wait3A = tpu.memref_slice %arg6[%mul3A_17] : memref<512xi32, #tpu.memory_space<hbm>> -> memref<16xi32, #tpu.memory_space<hbm>>
      %dma_wait3A_23 = tpu.memref_slice %arg6[%mul3A_17] : memref<512xi32, #tpu.memory_space<hbm>> -> memref<16xi32, #tpu.memory_space<hbm>>
      tpu.wait_dma2 semaphore(%run_scoped3A : memref<!tpu.dma_semaphore, #tpu.memory_space<semaphore_mem>>) src(%arg11 : memref<16xi32, #tpu.memory_space<vmem>>) dst(%dma_wait3A_23 : memref<16xi32, #tpu.memory_space<hbm>>)
      tpu.yield
    }) : () -> ()
    %mul3A_18 = arith.constant 16 : i32
    %mul3A_19 = arith.muli %add3A, %mul3A_18 : i32
    %mul3A_20 = arith.constant 1024 : i32
    %mul3A_21 = arith.muli %mul3A_19, %mul3A_20 : i32
    "tpu.region"() ({
      %run_scoped3A = tpu.sem_alloc : memref<!tpu.dma_semaphore, #tpu.memory_space<semaphore_mem>>
      %dma_start3A = arith.constant 0 : i32
      %dma_start3A_22 = tpu.memref_slice %arg8[%dma_start3A] : memref<16400xi32, #tpu.memory_space<vmem>> -> memref<16384xi32, #tpu.memory_space<vmem>>
      %dma_start3A_23 = tpu.memref_slice %arg5[%mul3A_21] : memref<524288xi32, #tpu.memory_space<hbm>> -> memref<16384xi32, #tpu.memory_space<hbm>>
      %dma_start3A_24 = tpu.memref_slice %arg5[%mul3A_21] : memref<524288xi32, #tpu.memory_space<hbm>> -> memref<16384xi32, #tpu.memory_space<hbm>>
      %dma_start3A_25 = arith.constant 0 : i32
      %dma_start3A_26 = tpu.memref_slice %arg8[%dma_start3A_25] : memref<16400xi32, #tpu.memory_space<vmem>> -> memref<16384xi32, #tpu.memory_space<vmem>>
      tpu.enqueue_dma source(%dma_start3A_26 : memref<16384xi32, #tpu.memory_space<vmem>>) target(%dma_start3A_24 : memref<16384xi32, #tpu.memory_space<hbm>>) target_semaphore(%run_scoped3A : memref<!tpu.dma_semaphore, #tpu.memory_space<semaphore_mem>>)
      %dma_wait3A = arith.constant 0 : i32
      %dma_wait3A_27 = tpu.memref_slice %arg8[%dma_wait3A] : memref<16400xi32, #tpu.memory_space<vmem>> -> memref<16384xi32, #tpu.memory_space<vmem>>
      %dma_wait3A_28 = tpu.memref_slice %arg5[%mul3A_21] : memref<524288xi32, #tpu.memory_space<hbm>> -> memref<16384xi32, #tpu.memory_space<hbm>>
      %dma_wait3A_29 = tpu.memref_slice %arg5[%mul3A_21] : memref<524288xi32, #tpu.memory_space<hbm>> -> memref<16384xi32, #tpu.memory_space<hbm>>
      %dma_wait3A_30 = arith.constant 0 : i32
      %dma_wait3A_31 = tpu.memref_slice %arg8[%dma_wait3A_30] : memref<16400xi32, #tpu.memory_space<vmem>> -> memref<16384xi32, #tpu.memory_space<vmem>>
      tpu.wait_dma2 semaphore(%run_scoped3A : memref<!tpu.dma_semaphore, #tpu.memory_space<semaphore_mem>>) src(%dma_wait3A_31 : memref<16384xi32, #tpu.memory_space<vmem>>) dst(%dma_wait3A_29 : memref<16384xi32, #tpu.memory_space<hbm>>)
      tpu.yield
    }) : () -> ()
    return
  }
}

module attributes {stable_mosaic.version = 14 : i64} {
  func.func @_lambda_(%arg0: i32, %arg1: memref<1x2xf32, #tpu.memory_space<vmem>>, %arg2: memref<1000x128xf32, #tpu.memory_space<vmem>>, %arg3: memref<1000x128xf32, #tpu.memory_space<vmem>>, %arg4: memref<1000x128xf32, #tpu.memory_space<vmem>>, %arg5: memref<1000x128xf32, #tpu.memory_space<vmem>>, %arg6: memref<1000x128xf32, #tpu.memory_space<vmem>>, %arg7: memref<1000x4xf32, #tpu.memory_space<vmem>>, %arg8: memref<1000x128xf32, #tpu.memory_space<vmem>>, %arg9: memref<1000x128xf32, #tpu.memory_space<vmem>>, %arg10: memref<1000x128xf32, #tpu.memory_space<vmem>>, %arg11: memref<1000x128xf32, #tpu.memory_space<vmem>>, %arg12: memref<1000x128xf32, #tpu.memory_space<vmem>>, %arg13: memref<1x128xf32, #tpu.memory_space<vmem>>) attributes {dimension_semantics = [#tpu.dimension_semantics<arbitrary>], iteration_bounds = array<i64: 5>, scalar_prefetch = 0 : i64, scratch_operands = 0 : i64, tpu.core_type = #tpu.core_type<tc>, window_params = [{pipeline_mode = #tpu.pipeline_mode<synchronous>, transform_indices = @transform_0, window_bounds = array<i64: 1, 2>}, {transform_indices = @transform_1, window_bounds = array<i64: 1000, 128>}, {transform_indices = @transform_2, window_bounds = array<i64: 1000, 128>}, {transform_indices = @transform_3, window_bounds = array<i64: 1000, 128>}, {transform_indices = @transform_4, window_bounds = array<i64: 1000, 128>}, {transform_indices = @transform_5, window_bounds = array<i64: 1000, 128>}, {transform_indices = @transform_6, window_bounds = array<i64: 1000, 4>}, {transform_indices = @transform_7, window_bounds = array<i64: 1000, 128>}, {transform_indices = @transform_8, window_bounds = array<i64: 1000, 128>}, {transform_indices = @transform_9, window_bounds = array<i64: 1000, 128>}, {transform_indices = @transform_10, window_bounds = array<i64: 1000, 128>}, {transform_indices = @transform_11, window_bounds = array<i64: 1000, 128>}, {pipeline_mode = #tpu.pipeline_mode<synchronous>, transform_indices = @transform_12, window_bounds = array<i64: 1, 128>}]} {
    %get3A = arith.constant 0 : index
    %get3A_0 = arith.constant 0 : index
    %get3A_1 = vector.load %arg1[%get3A, %get3A_0] : memref<1x2xf32, #tpu.memory_space<vmem>>, vector<1x1xf32>
    %get3A_2 = vector.extract %get3A_1[0, 0] : f32 from vector<1x1xf32>
    %get3A_3 = arith.constant 0 : index
    %get3A_4 = arith.constant 1 : index
    %get3A_5 = vector.load %arg1[%get3A_3, %get3A_4] : memref<1x2xf32, #tpu.memory_space<vmem>>, vector<1x1xf32>
    %get3A_6 = vector.extract %get3A_5[0, 0] : f32 from vector<1x1xf32>
    %get3A_7 = arith.constant 0 : index
    %get3A_8 = arith.constant 0 : index
    %get3A_9 = vector.load %arg7[%get3A_7, %get3A_8] : memref<1000x4xf32, #tpu.memory_space<vmem>>, vector<1000x4xf32>
    %slice3A = vector.extract_strided_slice %get3A_9 {offsets = [0, 2], sizes = [1000, 1], strides = [1, 1]} : vector<1000x4xf32> to vector<1000x1xf32>
    %slice3A_10 = vector.extract_strided_slice %get3A_9 {offsets = [0, 0], sizes = [1000, 1], strides = [1, 1]} : vector<1000x4xf32> to vector<1000x1xf32>
    %sub3A = arith.subf %slice3A, %slice3A_10 : vector<1000x1xf32>
    %slice3A_11 = vector.extract_strided_slice %get3A_9 {offsets = [0, 3], sizes = [1000, 1], strides = [1, 1]} : vector<1000x4xf32> to vector<1000x1xf32>
    %slice3A_12 = vector.extract_strided_slice %get3A_9 {offsets = [0, 1], sizes = [1000, 1], strides = [1, 1]} : vector<1000x4xf32> to vector<1000x1xf32>
    %sub3A_13 = arith.subf %slice3A_11, %slice3A_12 : vector<1000x1xf32>
    %slice3A_14 = vector.extract_strided_slice %get3A_9 {offsets = [0, 0], sizes = [1000, 1], strides = [1, 1]} : vector<1000x4xf32> to vector<1000x1xf32>
    %mul3A = arith.constant 5.000000e-01 : f32
    %mul3A_15 = vector.broadcast %mul3A : f32 to vector<1000x1xf32>
    %mul3A_16 = arith.mulf %mul3A_15, %sub3A : vector<1000x1xf32>
    %add3A = arith.addf %slice3A_14, %mul3A_16 : vector<1000x1xf32>
    %slice3A_17 = vector.extract_strided_slice %get3A_9 {offsets = [0, 1], sizes = [1000, 1], strides = [1, 1]} : vector<1000x4xf32> to vector<1000x1xf32>
    %mul3A_18 = arith.constant 5.000000e-01 : f32
    %mul3A_19 = vector.broadcast %mul3A_18 : f32 to vector<1000x1xf32>
    %mul3A_20 = arith.mulf %mul3A_19, %sub3A_13 : vector<1000x1xf32>
    %add3A_21 = arith.addf %slice3A_17, %mul3A_20 : vector<1000x1xf32>
    %get3A_22 = arith.constant 0 : index
    %get3A_23 = arith.constant 0 : index
    %get3A_24 = vector.load %arg2[%get3A_22, %get3A_23] : memref<1000x128xf32, #tpu.memory_space<vmem>>, vector<1000x128xf32>
    %reduce_max3A = arith.constant dense<0xFF800000> : vector<1000xf32>
    %reduce_max3A_25 = vector.multi_reduction <maximumf>, %get3A_24, %reduce_max3A [1] : vector<1000x128xf32> to vector<1000xf32>
    %broadcast_in_dim3A = vector.shape_cast %reduce_max3A_25 : vector<1000xf32> to vector<1000x1xf32>
    %sub3A_26 = vector.broadcast %broadcast_in_dim3A : vector<1000x1xf32> to vector<1000x128xf32>
    %sub3A_27 = arith.subf %get3A_24, %sub3A_26 : vector<1000x128xf32>
    %exp3A = math.exp %sub3A_27 : vector<1000x128xf32>
    %reduce_sum3A = arith.constant dense<0.000000e+00> : vector<1000xf32>
    %reduce_sum3A_28 = vector.multi_reduction <add>, %exp3A, %reduce_sum3A [1] : vector<1000x128xf32> to vector<1000xf32>
    %broadcast_in_dim3A_29 = vector.shape_cast %reduce_sum3A_28 : vector<1000xf32> to vector<1000x1xf32>
    %div3A = vector.broadcast %broadcast_in_dim3A_29 : vector<1000x1xf32> to vector<1000x128xf32>
    %div3A_30 = arith.divf %exp3A, %div3A : vector<1000x128xf32>
    %get3A_31 = arith.constant 0 : index
    %get3A_32 = arith.constant 0 : index
    %get3A_33 = vector.load %arg3[%get3A_31, %get3A_32] : memref<1000x128xf32, #tpu.memory_space<vmem>>, vector<1000x128xf32>
    %div3A_34 = arith.constant 1.000000e+01 : f32
    %div3A_35 = vector.broadcast %div3A_34 : f32 to vector<1000x128xf32>
    %div3A_36 = arith.divf %get3A_33, %div3A_35 : vector<1000x128xf32>
    %get3A_37 = arith.constant 0 : index
    %get3A_38 = arith.constant 0 : index
    %get3A_39 = vector.load %arg4[%get3A_37, %get3A_38] : memref<1000x128xf32, #tpu.memory_space<vmem>>, vector<1000x128xf32>
    %div3A_40 = arith.constant 1.000000e+01 : f32
    %div3A_41 = vector.broadcast %div3A_40 : f32 to vector<1000x128xf32>
    %div3A_42 = arith.divf %get3A_39, %div3A_41 : vector<1000x128xf32>
    %get3A_43 = arith.constant 0 : index
    %get3A_44 = arith.constant 0 : index
    %get3A_45 = vector.load %arg5[%get3A_43, %get3A_44] : memref<1000x128xf32, #tpu.memory_space<vmem>>, vector<1000x128xf32>
    %div3A_46 = arith.constant 5.000000e+00 : f32
    %div3A_47 = vector.broadcast %div3A_46 : f32 to vector<1000x128xf32>
    %div3A_48 = arith.divf %get3A_45, %div3A_47 : vector<1000x128xf32>
    %min3A = arith.constant 4.13516665 : f32
    %min3A_49 = vector.broadcast %min3A : f32 to vector<1000x128xf32>
    %min3A_50 = arith.minimumf %div3A_48, %min3A_49 : vector<1000x128xf32>
    %get3A_51 = arith.constant 0 : index
    %get3A_52 = arith.constant 0 : index
    %get3A_53 = vector.load %arg6[%get3A_51, %get3A_52] : memref<1000x128xf32, #tpu.memory_space<vmem>>, vector<1000x128xf32>
    %div3A_54 = arith.constant 5.000000e+00 : f32
    %div3A_55 = vector.broadcast %div3A_54 : f32 to vector<1000x128xf32>
    %div3A_56 = arith.divf %get3A_53, %div3A_55 : vector<1000x128xf32>
    %min3A_57 = arith.constant 4.13516665 : f32
    %min3A_58 = vector.broadcast %min3A_57 : f32 to vector<1000x128xf32>
    %min3A_59 = arith.minimumf %div3A_56, %min3A_58 : vector<1000x128xf32>
    %mul3A_60 = vector.broadcast %sub3A : vector<1000x1xf32> to vector<1000x128xf32>
    %mul3A_61 = arith.mulf %div3A_36, %mul3A_60 : vector<1000x128xf32>
    %add3A_62 = vector.broadcast %add3A : vector<1000x1xf32> to vector<1000x128xf32>
    %add3A_63 = arith.addf %mul3A_61, %add3A_62 : vector<1000x128xf32>
    %mul3A_64 = vector.broadcast %sub3A_13 : vector<1000x1xf32> to vector<1000x128xf32>
    %mul3A_65 = arith.mulf %div3A_42, %mul3A_64 : vector<1000x128xf32>
    %add3A_66 = vector.broadcast %add3A_21 : vector<1000x1xf32> to vector<1000x128xf32>
    %add3A_67 = arith.addf %mul3A_65, %add3A_66 : vector<1000x128xf32>
    %exp3A_68 = math.exp %min3A_50 : vector<1000x128xf32>
    %mul3A_69 = vector.broadcast %sub3A : vector<1000x1xf32> to vector<1000x128xf32>
    %mul3A_70 = arith.mulf %exp3A_68, %mul3A_69 : vector<1000x128xf32>
    %exp3A_71 = math.exp %min3A_59 : vector<1000x128xf32>
    %mul3A_72 = vector.broadcast %sub3A_13 : vector<1000x1xf32> to vector<1000x128xf32>
    %mul3A_73 = arith.mulf %exp3A_71, %mul3A_72 : vector<1000x128xf32>
    %mul3A_74 = arith.constant 5.000000e-01 : f32
    %mul3A_75 = vector.broadcast %mul3A_74 : f32 to vector<1000x128xf32>
    %mul3A_76 = arith.mulf %mul3A_75, %mul3A_70 : vector<1000x128xf32>
    %sub3A_77 = arith.subf %add3A_63, %mul3A_76 : vector<1000x128xf32>
    %jit3A = arith.constant 0.000000e+00 : f32
    %max3A = vector.broadcast %jit3A : f32 to vector<1000x128xf32>
    %max3A_78 = arith.maximumf %max3A, %sub3A_77 : vector<1000x128xf32>
    %min3A_79 = vector.broadcast %get3A_2 : f32 to vector<1000x128xf32>
    %min3A_80 = arith.minimumf %min3A_79, %max3A_78 : vector<1000x128xf32>
    %mul3A_81 = arith.constant 5.000000e-01 : f32
    %mul3A_82 = vector.broadcast %mul3A_81 : f32 to vector<1000x128xf32>
    %mul3A_83 = arith.mulf %mul3A_82, %mul3A_73 : vector<1000x128xf32>
    %sub3A_84 = arith.subf %add3A_67, %mul3A_83 : vector<1000x128xf32>
    %jit3A_85 = arith.constant 0.000000e+00 : f32
    %max3A_86 = vector.broadcast %jit3A_85 : f32 to vector<1000x128xf32>
    %max3A_87 = arith.maximumf %max3A_86, %sub3A_84 : vector<1000x128xf32>
    %min3A_88 = vector.broadcast %get3A_6 : f32 to vector<1000x128xf32>
    %min3A_89 = arith.minimumf %min3A_88, %max3A_87 : vector<1000x128xf32>
    %mul3A_90 = arith.constant 5.000000e-01 : f32
    %mul3A_91 = vector.broadcast %mul3A_90 : f32 to vector<1000x128xf32>
    %mul3A_92 = arith.mulf %mul3A_91, %mul3A_70 : vector<1000x128xf32>
    %add3A_93 = arith.addf %add3A_63, %mul3A_92 : vector<1000x128xf32>
    %jit3A_94 = arith.constant 0.000000e+00 : f32
    %max3A_95 = vector.broadcast %jit3A_94 : f32 to vector<1000x128xf32>
    %max3A_96 = arith.maximumf %max3A_95, %add3A_93 : vector<1000x128xf32>
    %min3A_97 = vector.broadcast %get3A_2 : f32 to vector<1000x128xf32>
    %min3A_98 = arith.minimumf %min3A_97, %max3A_96 : vector<1000x128xf32>
    %mul3A_99 = arith.constant 5.000000e-01 : f32
    %mul3A_100 = vector.broadcast %mul3A_99 : f32 to vector<1000x128xf32>
    %mul3A_101 = arith.mulf %mul3A_100, %mul3A_73 : vector<1000x128xf32>
    %add3A_102 = arith.addf %add3A_67, %mul3A_101 : vector<1000x128xf32>
    %jit3A_103 = arith.constant 0.000000e+00 : f32
    %max3A_104 = vector.broadcast %jit3A_103 : f32 to vector<1000x128xf32>
    %max3A_105 = arith.maximumf %max3A_104, %add3A_102 : vector<1000x128xf32>
    %min3A_106 = vector.broadcast %get3A_6 : f32 to vector<1000x128xf32>
    %min3A_107 = arith.minimumf %min3A_106, %max3A_105 : vector<1000x128xf32>
    %iota3A = tpu.iota {dimensions = array<i32: 1>} : vector<1000x128xi32>
    %ge3A = arith.constant 1 : i32
    %ge3A_108 = vector.broadcast %ge3A : i32 to vector<1000x128xi32>
    %ge3A_109 = arith.cmpi sge, %iota3A, %ge3A_108 : vector<1000x128xi32>
    %lt3A = arith.constant 91 : i32
    %lt3A_110 = vector.broadcast %lt3A : i32 to vector<1000x128xi32>
    %lt3A_111 = arith.cmpi slt, %iota3A, %lt3A_110 : vector<1000x128xi32>
    %and3A = arith.andi %ge3A_109, %lt3A_111 : vector<1000x128xi1>
    %gt3A = arith.constant 5.000000e-02 : f32
    %gt3A_112 = vector.broadcast %gt3A : f32 to vector<1000x128xf32>
    %gt3A_113 = arith.cmpf ogt, %div3A_30, %gt3A_112 : vector<1000x128xf32>
    %sub3A_114 = arith.subf %min3A_98, %min3A_80 : vector<1000x128xf32>
    %ge3A_115 = arith.constant 0.00999999977 : f32
    %ge3A_116 = vector.broadcast %ge3A_115 : f32 to vector<1000x128xf32>
    %ge3A_117 = arith.cmpf oge, %sub3A_114, %ge3A_116 : vector<1000x128xf32>
    %and3A_118 = arith.andi %gt3A_113, %ge3A_117 : vector<1000x128xi1>
    %sub3A_119 = arith.subf %min3A_107, %min3A_89 : vector<1000x128xf32>
    %ge3A_120 = arith.constant 0.00999999977 : f32
    %ge3A_121 = vector.broadcast %ge3A_120 : f32 to vector<1000x128xf32>
    %ge3A_122 = arith.cmpf oge, %sub3A_119, %ge3A_121 : vector<1000x128xf32>
    %and3A_123 = arith.andi %and3A_118, %ge3A_122 : vector<1000x128xi1>
    %and3A_124 = arith.andi %and3A_123, %and3A : vector<1000x128xi1>
    %jit3A_125 = arith.constant -1.000000e+00 : f32
    %broadcast_in_dim3A_126 = vector.broadcast %jit3A_125 : f32 to vector<1000x128xf32>
    %select_n3A = arith.select %and3A_124, %div3A_30, %broadcast_in_dim3A_126 : vector<1000x128xi1>, vector<1000x128xf32>
    %swap3A = arith.constant 0 : index
    %swap3A_127 = arith.constant 0 : index
    %swap3A_128 = vector.load %arg8[%swap3A, %swap3A_127] : memref<1000x128xf32, #tpu.memory_space<vmem>>, vector<1000x128xf32>
    tpu.vector_store %arg8[%swap3A, %swap3A_127], %select_n3A {strides = array<i32>} : memref<1000x128xf32, #tpu.memory_space<vmem>>, vector<1000x128xf32>,
    %swap3A_129 = arith.constant 0 : index
    %swap3A_130 = arith.constant 0 : index
    %swap3A_131 = vector.load %arg9[%swap3A_129, %swap3A_130] : memref<1000x128xf32, #tpu.memory_space<vmem>>, vector<1000x128xf32>
    tpu.vector_store %arg9[%swap3A_129, %swap3A_130], %min3A_80 {strides = array<i32>} : memref<1000x128xf32, #tpu.memory_space<vmem>>, vector<1000x128xf32>,
    %swap3A_132 = arith.constant 0 : index
    %swap3A_133 = arith.constant 0 : index
    %swap3A_134 = vector.load %arg10[%swap3A_132, %swap3A_133] : memref<1000x128xf32, #tpu.memory_space<vmem>>, vector<1000x128xf32>
    tpu.vector_store %arg10[%swap3A_132, %swap3A_133], %min3A_89 {strides = array<i32>} : memref<1000x128xf32, #tpu.memory_space<vmem>>, vector<1000x128xf32>,
    %swap3A_135 = arith.constant 0 : index
    %swap3A_136 = arith.constant 0 : index
    %swap3A_137 = vector.load %arg11[%swap3A_135, %swap3A_136] : memref<1000x128xf32, #tpu.memory_space<vmem>>, vector<1000x128xf32>
    tpu.vector_store %arg11[%swap3A_135, %swap3A_136], %min3A_98 {strides = array<i32>} : memref<1000x128xf32, #tpu.memory_space<vmem>>, vector<1000x128xf32>,
    %swap3A_138 = arith.constant 0 : index
    %swap3A_139 = arith.constant 0 : index
    %swap3A_140 = vector.load %arg12[%swap3A_138, %swap3A_139] : memref<1000x128xf32, #tpu.memory_space<vmem>>, vector<1000x128xf32>
    tpu.vector_store %arg12[%swap3A_138, %swap3A_139], %min3A_107 {strides = array<i32>} : memref<1000x128xf32, #tpu.memory_space<vmem>>, vector<1000x128xf32>,
    %max3A_141 = arith.maximumf %min3A_80, %min3A_98 : vector<1000x128xf32>
    %max3A_142 = arith.maximumf %min3A_89, %min3A_107 : vector<1000x128xf32>
    %max3A_143 = arith.maximumf %max3A_141, %max3A_142 : vector<1000x128xf32>
    %jit3A_144 = arith.constant 0xFF800000 : f32
    %broadcast_in_dim3A_145 = vector.broadcast %jit3A_144 : f32 to vector<1000x128xf32>
    %select_n3A_146 = arith.select %and3A, %max3A_143, %broadcast_in_dim3A_145 : vector<1000x128xi1>, vector<1000x128xf32>
    %reduce_max3A_147 = arith.constant dense<0xFF800000> : vector<128xf32>
    %reduce_max3A_148 = vector.multi_reduction <maximumf>, %select_n3A_146, %reduce_max3A_147 [0] : vector<1000x128xf32> to vector<128xf32>
    %broadcast_in_dim3A_149 = vector.shape_cast %reduce_max3A_148 : vector<128xf32> to vector<1x128xf32>
    %eq3A = arith.constant 0 : i32
    %eq3A_150 = arith.cmpi eq, %arg0, %eq3A : i32
    %convert_element_type3A = arith.extui %eq3A_150 : i1 to i32
    %cond3A = arith.constant 0 : i32
    %cond3A_151 = arith.cmpi ne, %convert_element_type3A, %cond3A : i32
    scf.if %cond3A_151 {
      %swap3A_156 = arith.constant 0 : index
      %swap3A_157 = arith.constant 0 : index
      %swap3A_158 = vector.load %arg13[%swap3A_156, %swap3A_157] : memref<1x128xf32, #tpu.memory_space<vmem>>, vector<1x128xf32>
      tpu.vector_store %arg13[%swap3A_156, %swap3A_157], %broadcast_in_dim3A_149 {strides = array<i32>} : memref<1x128xf32, #tpu.memory_space<vmem>>, vector<1x128xf32>,
    } else {
    }
    %ne3A = arith.constant 0 : i32
    %ne3A_152 = arith.cmpi ne, %arg0, %ne3A : i32
    %convert_element_type3A_153 = arith.extui %ne3A_152 : i1 to i32
    %cond3A_154 = arith.constant 0 : i32
    %cond3A_155 = arith.cmpi ne, %convert_element_type3A_153, %cond3A_154 : i32
    scf.if %cond3A_155 {
      %get3A_156 = arith.constant 0 : index
      %get3A_157 = arith.constant 0 : index
      %get3A_158 = vector.load %arg13[%get3A_156, %get3A_157] : memref<1x128xf32, #tpu.memory_space<vmem>>, vector<1x128xf32>
      %max3A_159 = arith.maximumf %get3A_158, %broadcast_in_dim3A_149 : vector<1x128xf32>
      %swap3A_160 = arith.constant 0 : index
      %swap3A_161 = arith.constant 0 : index
      %swap3A_162 = vector.load %arg13[%swap3A_160, %swap3A_161] : memref<1x128xf32, #tpu.memory_space<vmem>>, vector<1x128xf32>
      tpu.vector_store %arg13[%swap3A_160, %swap3A_161], %max3A_159 {strides = array<i32>} : memref<1x128xf32, #tpu.memory_space<vmem>>, vector<1x128xf32>,
    } else {
    }
    return
  }
  func.func @transform_0(%arg0: i32) -> (i32, i32) {
    %c0_i32 = arith.constant 0 : i32
    %c0_i32_0 = arith.constant 0 : i32
    %c0_i32_1 = arith.constant 0 : i32
    return %c0_i32, %c0_i32_0 : i32, i32
  }
  func.func @transform_1(%arg0: i32) -> (i32, i32) {
    %c0_i32 = arith.constant 0 : i32
    %c0_i32_0 = arith.constant 0 : i32
    return %arg0, %c0_i32 : i32, i32
  }
  func.func @transform_2(%arg0: i32) -> (i32, i32) {
    %c0_i32 = arith.constant 0 : i32
    %c0_i32_0 = arith.constant 0 : i32
    return %arg0, %c0_i32 : i32, i32
  }
  func.func @transform_3(%arg0: i32) -> (i32, i32) {
    %c0_i32 = arith.constant 0 : i32
    %c0_i32_0 = arith.constant 0 : i32
    return %arg0, %c0_i32 : i32, i32
  }
  func.func @transform_4(%arg0: i32) -> (i32, i32) {
    %c0_i32 = arith.constant 0 : i32
    %c0_i32_0 = arith.constant 0 : i32
    return %arg0, %c0_i32 : i32, i32
  }
  func.func @transform_5(%arg0: i32) -> (i32, i32) {
    %c0_i32 = arith.constant 0 : i32
    %c0_i32_0 = arith.constant 0 : i32
    return %arg0, %c0_i32 : i32, i32
  }
  func.func @transform_6(%arg0: i32) -> (i32, i32) {
    %c0_i32 = arith.constant 0 : i32
    %c0_i32_0 = arith.constant 0 : i32
    return %arg0, %c0_i32 : i32, i32
  }
  func.func @transform_7(%arg0: i32) -> (i32, i32) {
    %c0_i32 = arith.constant 0 : i32
    %c0_i32_0 = arith.constant 0 : i32
    return %arg0, %c0_i32 : i32, i32
  }
  func.func @transform_8(%arg0: i32) -> (i32, i32) {
    %c0_i32 = arith.constant 0 : i32
    %c0_i32_0 = arith.constant 0 : i32
    return %arg0, %c0_i32 : i32, i32
  }
  func.func @transform_9(%arg0: i32) -> (i32, i32) {
    %c0_i32 = arith.constant 0 : i32
    %c0_i32_0 = arith.constant 0 : i32
    return %arg0, %c0_i32 : i32, i32
  }
  func.func @transform_10(%arg0: i32) -> (i32, i32) {
    %c0_i32 = arith.constant 0 : i32
    %c0_i32_0 = arith.constant 0 : i32
    return %arg0, %c0_i32 : i32, i32
  }
  func.func @transform_11(%arg0: i32) -> (i32, i32) {
    %c0_i32 = arith.constant 0 : i32
    %c0_i32_0 = arith.constant 0 : i32
    return %arg0, %c0_i32 : i32, i32
  }
  func.func @transform_12(%arg0: i32) -> (i32, i32) {
    %c0_i32 = arith.constant 0 : i32
    %c0_i32_0 = arith.constant 0 : i32
    %c0_i32_1 = arith.constant 0 : i32
    return %c0_i32, %c0_i32_0 : i32, i32
  }
}

module attributes {stable_mosaic.version = 14 : i64} {
  func.func @_threshold(%arg0: memref<5000x128xf32, #tpu.memory_space<vmem>>, %arg1: memref<1x128xf32, #tpu.memory_space<vmem>>, %arg2: memref<1x128xi32, #tpu.memory_space<vmem>>) attributes {dimension_semantics = [], scalar_prefetch = 0 : i64, scratch_operands = 0 : i64, tpu.core_type = #tpu.core_type<tc>} {
    %get3A = arith.constant 0 : index
    %get3A_0 = arith.constant 0 : index
    %get3A_1 = vector.load %arg0[%get3A, %get3A_0] : memref<5000x128xf32, #tpu.memory_space<vmem>>, vector<5000x128xf32>
    %broadcast_in_dim3A = arith.constant 0 : i32
    %broadcast_in_dim3A_2 = vector.broadcast %broadcast_in_dim3A : i32 to vector<1x128xi32>
    %bitcast_convert_type3A = tpu.bitcast %broadcast_in_dim3A_2 : vector<1x128xi32> -> vector<1x128xf32>
    %gt3A = vector.broadcast %bitcast_convert_type3A : vector<1x128xf32> to vector<5000x128xf32>
    %gt3A_3 = arith.cmpf ogt, %get3A_1, %gt3A : vector<5000x128xf32>
    %convert_element_type3A = arith.extui %gt3A_3 : vector<5000x128xi1> to vector<5000x128xi32>
    %reduce_sum3A = vector.shape_cast %convert_element_type3A : vector<5000x128xi32> to vector<1x5000x128xi32>
    %reduce_sum3A_4 = arith.constant dense<0> : vector<1xi32>
    %reduce_sum3A_5 = vector.multi_reduction <add>, %reduce_sum3A, %reduce_sum3A_4 [1, 2] : vector<1x5000x128xi32> to vector<1xi32>
    %reduce_sum3A_6 = vector.shape_cast %reduce_sum3A_5 : vector<1xi32> to vector<1x1x1xi32>
    %reduce_sum3A_7 = vector.extract %reduce_sum3A_6[0, 0, 0] : i32 from vector<1x1x1xi32>
    %scan3A = arith.constant 0 : i32
    %scan3A_8 = arith.constant 1065353216 : i32
    %scan3A_9 = arith.constant 0 : i32
    %scan3A_10 = arith.constant 31 : i32
    %scan3A_11 = arith.addi %scan3A_9, %scan3A_10 : i32
    %scan3A_12 = arith.constant 1 : i32
    %scan3A_13:2 = scf.for %scan3A_47 = %scan3A_9 to %scan3A_11 step %scan3A_12 iter_args(%scan3A_48 = %scan3A, %scan3A_49 = %scan3A_8) -> (i32, i32)  : i32 {
      %add3A_50 = arith.addi %scan3A_48, %scan3A_49 : i32
      %jit3A_51 = arith.constant 2 : i32
      %div3A = arith.divsi %add3A_50, %jit3A_51 : i32
      %sign3A = arith.constant 0 : i32
      %sign3A_52 = arith.cmpi sgt, %add3A_50, %sign3A : i32
      %sign3A_53 = arith.extui %sign3A_52 : i1 to i32
      %sign3A_54 = arith.constant 0 : i32
      %sign3A_55 = arith.cmpi slt, %add3A_50, %sign3A_54 : i32
      %sign3A_56 = arith.extui %sign3A_55 : i1 to i32
      %sign3A_57 = arith.subi %sign3A_53, %sign3A_56 : i32
      %sign3A_58 = arith.constant 0 : i32
      %sign3A_59 = arith.cmpi sgt, %jit3A_51, %sign3A_58 : i32
      %sign3A_60 = arith.extui %sign3A_59 : i1 to i32
      %sign3A_61 = arith.constant 0 : i32
      %sign3A_62 = arith.cmpi slt, %jit3A_51, %sign3A_61 : i32
      %sign3A_63 = arith.extui %sign3A_62 : i1 to i32
      %sign3A_64 = arith.subi %sign3A_60, %sign3A_63 : i32
      %ne3A = arith.cmpi ne, %sign3A_57, %sign3A_64 : i32
      %rem3A = arith.remsi %add3A_50, %jit3A_51 : i32
      %ne3A_65 = arith.constant 0 : i32
      %ne3A_66 = arith.cmpi ne, %rem3A, %ne3A_65 : i32
      %and3A = arith.andi %ne3A, %ne3A_66 : i1
      %sub3A_67 = arith.constant 1 : i32
      %sub3A_68 = arith.subi %div3A, %sub3A_67 : i32
      %select_n3A_69 = arith.select %and3A, %sub3A_68, %div3A : i32
      %broadcast_in_dim3A_70 = vector.broadcast %select_n3A_69 : i32 to vector<1x128xi32>
      %bitcast_convert_type3A_71 = tpu.bitcast %broadcast_in_dim3A_70 : vector<1x128xi32> -> vector<1x128xf32>
      %gt3A_72 = vector.broadcast %bitcast_convert_type3A_71 : vector<1x128xf32> to vector<5000x128xf32>
      %gt3A_73 = arith.cmpf ogt, %get3A_1, %gt3A_72 : vector<5000x128xf32>
      %convert_element_type3A_74 = arith.extui %gt3A_73 : vector<5000x128xi1> to vector<5000x128xi32>
      %reduce_sum3A_75 = vector.shape_cast %convert_element_type3A_74 : vector<5000x128xi32> to vector<1x5000x128xi32>
      %reduce_sum3A_76 = arith.constant dense<0> : vector<1xi32>
      %reduce_sum3A_77 = vector.multi_reduction <add>, %reduce_sum3A_75, %reduce_sum3A_76 [1, 2] : vector<1x5000x128xi32> to vector<1xi32>
      %reduce_sum3A_78 = vector.shape_cast %reduce_sum3A_77 : vector<1xi32> to vector<1x1x1xi32>
      %reduce_sum3A_79 = vector.extract %reduce_sum3A_78[0, 0, 0] : i32 from vector<1x1x1xi32>
      %ge3A = arith.constant 1000 : i32
      %ge3A_80 = arith.cmpi sge, %reduce_sum3A_79, %ge3A : i32
      %select_n3A_81 = arith.select %ge3A_80, %select_n3A_69, %scan3A_48 : i32
      %select_n3A_82 = arith.select %ge3A_80, %scan3A_49, %select_n3A_69 : i32
      scf.yield %select_n3A_81, %select_n3A_82 : i32, i32
    }
    %le3A = arith.constant 1000 : i32
    %le3A_14 = arith.cmpi sle, %reduce_sum3A_7, %le3A : i32
    %jit3A = arith.constant 0 : i32
    %select_n3A = arith.select %le3A_14, %jit3A, %scan3A_13#1 : i32
    %broadcast_in_dim3A_15 = vector.broadcast %select_n3A : i32 to vector<1x128xi32>
    %bitcast_convert_type3A_16 = tpu.bitcast %broadcast_in_dim3A_15 : vector<1x128xi32> -> vector<1x128xf32>
    %gt3A_17 = vector.broadcast %bitcast_convert_type3A_16 : vector<1x128xf32> to vector<5000x128xf32>
    %gt3A_18 = arith.cmpf ogt, %get3A_1, %gt3A_17 : vector<5000x128xf32>
    %convert_element_type3A_19 = arith.extui %gt3A_18 : vector<5000x128xi1> to vector<5000x128xi32>
    %reduce_sum3A_20 = vector.shape_cast %convert_element_type3A_19 : vector<5000x128xi32> to vector<1x5000x128xi32>
    %reduce_sum3A_21 = arith.constant dense<0> : vector<1xi32>
    %reduce_sum3A_22 = vector.multi_reduction <add>, %reduce_sum3A_20, %reduce_sum3A_21 [1, 2] : vector<1x5000x128xi32> to vector<1xi32>
    %reduce_sum3A_23 = vector.shape_cast %reduce_sum3A_22 : vector<1xi32> to vector<1x1x1xi32>
    %reduce_sum3A_24 = vector.extract %reduce_sum3A_23[0, 0, 0] : i32 from vector<1x1x1xi32>
    %sub3A = arith.constant 1000 : i32
    %sub3A_25 = arith.subi %sub3A, %reduce_sum3A_24 : i32
    %eq3A = vector.broadcast %bitcast_convert_type3A_16 : vector<1x128xf32> to vector<5000x128xf32>
    %eq3A_26 = arith.cmpf oeq, %get3A_1, %eq3A : vector<5000x128xf32>
    %iota3A = tpu.iota {dimensions = array<i32: 0>} : vector<5000x128xi32>
    %mul3A = arith.constant 128 : i32
    %mul3A_27 = vector.broadcast %mul3A : i32 to vector<5000x128xi32>
    %mul3A_28 = arith.muli %iota3A, %mul3A_27 : vector<5000x128xi32>
    %iota3A_29 = tpu.iota {dimensions = array<i32: 1>} : vector<5000x128xi32>
    %add3A = arith.addi %mul3A_28, %iota3A_29 : vector<5000x128xi32>
    %scan3A_30 = arith.constant -1 : i32
    %scan3A_31 = arith.constant 639999 : i32
    %scan3A_32 = arith.constant 0 : i32
    %scan3A_33 = arith.constant 21 : i32
    %scan3A_34 = arith.addi %scan3A_32, %scan3A_33 : i32
    %scan3A_35 = arith.constant 1 : i32
    %scan3A_36:2 = scf.for %scan3A_47 = %scan3A_32 to %scan3A_34 step %scan3A_35 iter_args(%scan3A_48 = %scan3A_30, %scan3A_49 = %scan3A_31) -> (i32, i32)  : i32 {
      %add3A_50 = arith.addi %scan3A_48, %scan3A_49 : i32
      %jit3A_51 = arith.constant 2 : i32
      %div3A = arith.divsi %add3A_50, %jit3A_51 : i32
      %sign3A = arith.constant 0 : i32
      %sign3A_52 = arith.cmpi sgt, %add3A_50, %sign3A : i32
      %sign3A_53 = arith.extui %sign3A_52 : i1 to i32
      %sign3A_54 = arith.constant 0 : i32
      %sign3A_55 = arith.cmpi slt, %add3A_50, %sign3A_54 : i32
      %sign3A_56 = arith.extui %sign3A_55 : i1 to i32
      %sign3A_57 = arith.subi %sign3A_53, %sign3A_56 : i32
      %sign3A_58 = arith.constant 0 : i32
      %sign3A_59 = arith.cmpi sgt, %jit3A_51, %sign3A_58 : i32
      %sign3A_60 = arith.extui %sign3A_59 : i1 to i32
      %sign3A_61 = arith.constant 0 : i32
      %sign3A_62 = arith.cmpi slt, %jit3A_51, %sign3A_61 : i32
      %sign3A_63 = arith.extui %sign3A_62 : i1 to i32
      %sign3A_64 = arith.subi %sign3A_60, %sign3A_63 : i32
      %ne3A = arith.cmpi ne, %sign3A_57, %sign3A_64 : i32
      %rem3A = arith.remsi %add3A_50, %jit3A_51 : i32
      %ne3A_65 = arith.constant 0 : i32
      %ne3A_66 = arith.cmpi ne, %rem3A, %ne3A_65 : i32
      %and3A = arith.andi %ne3A, %ne3A_66 : i1
      %sub3A_67 = arith.constant 1 : i32
      %sub3A_68 = arith.subi %div3A, %sub3A_67 : i32
      %select_n3A_69 = arith.select %and3A, %sub3A_68, %div3A : i32
      %le3A_70 = vector.broadcast %select_n3A_69 : i32 to vector<5000x128xi32>
      %le3A_71 = arith.cmpi sle, %add3A, %le3A_70 : vector<5000x128xi32>
      %and3A_72 = arith.andi %eq3A_26, %le3A_71 : vector<5000x128xi1>
      %convert_element_type3A_73 = arith.extui %and3A_72 : vector<5000x128xi1> to vector<5000x128xi32>
      %reduce_sum3A_74 = vector.shape_cast %convert_element_type3A_73 : vector<5000x128xi32> to vector<1x5000x128xi32>
      %reduce_sum3A_75 = arith.constant dense<0> : vector<1xi32>
      %reduce_sum3A_76 = vector.multi_reduction <add>, %reduce_sum3A_74, %reduce_sum3A_75 [1, 2] : vector<1x5000x128xi32> to vector<1xi32>
      %reduce_sum3A_77 = vector.shape_cast %reduce_sum3A_76 : vector<1xi32> to vector<1x1x1xi32>
      %reduce_sum3A_78 = vector.extract %reduce_sum3A_77[0, 0, 0] : i32 from vector<1x1x1xi32>
      %ge3A = arith.cmpi sge, %reduce_sum3A_78, %sub3A_25 : i32
      %select_n3A_79 = arith.select %ge3A, %scan3A_48, %select_n3A_69 : i32
      %select_n3A_80 = arith.select %ge3A, %select_n3A_69, %scan3A_49 : i32
      scf.yield %select_n3A_79, %select_n3A_80 : i32, i32
    }
    %le3A_37 = arith.constant 1000 : i32
    %le3A_38 = arith.cmpi sle, %reduce_sum3A_7, %le3A_37 : i32
    %jit3A_39 = arith.constant -1 : i32
    %select_n3A_40 = arith.select %le3A_38, %jit3A_39, %scan3A_36#1 : i32
    %swap3A = arith.constant 0 : index
    %swap3A_41 = arith.constant 0 : index
    %swap3A_42 = vector.load %arg1[%swap3A, %swap3A_41] : memref<1x128xf32, #tpu.memory_space<vmem>>, vector<1x128xf32>
    tpu.vector_store %arg1[%swap3A, %swap3A_41], %bitcast_convert_type3A_16 {strides = array<i32>} : memref<1x128xf32, #tpu.memory_space<vmem>>, vector<1x128xf32>,
    %broadcast_in_dim3A_43 = vector.broadcast %select_n3A_40 : i32 to vector<1x128xi32>
    %swap3A_44 = arith.constant 0 : index
    %swap3A_45 = arith.constant 0 : index
    %swap3A_46 = vector.load %arg2[%swap3A_44, %swap3A_45] : memref<1x128xi32, #tpu.memory_space<vmem>>, vector<1x128xi32>
    tpu.vector_store %arg2[%swap3A_44, %swap3A_45], %broadcast_in_dim3A_43 {strides = array<i32>} : memref<1x128xi32, #tpu.memory_space<vmem>>, vector<1x128xi32>,
    return
  }
}

module attributes {stable_mosaic.version = 14 : i64} {
  func.func @_stage2(%arg0: memref<1x1xf32, #tpu.memory_space<vmem>>, %arg1: memref<1024x1xf32, #tpu.memory_space<vmem>>, %arg2: memref<1x1024xf32, #tpu.memory_space<vmem>>, %arg3: memref<1024x1xf32, #tpu.memory_space<vmem>>, %arg4: memref<1024x1xf32, #tpu.memory_space<vmem>>, %arg5: memref<1024x1xf32, #tpu.memory_space<vmem>>, %arg6: memref<1024x1xf32, #tpu.memory_space<vmem>>, %arg7: memref<1x1024xf32, #tpu.memory_space<vmem>>, %arg8: memref<1x1024xf32, #tpu.memory_space<vmem>>, %arg9: memref<1x1024xf32, #tpu.memory_space<vmem>>, %arg10: memref<1x1024xf32, #tpu.memory_space<vmem>>, %arg11: memref<1024x1xf32, #tpu.memory_space<vmem>>, %arg12: memref<1x1024xf32, #tpu.memory_space<vmem>>, %arg13: memref<1024x1xi32, #tpu.memory_space<vmem>>, %arg14: memref<1x1024xi32, #tpu.memory_space<vmem>>, %arg15: memref<1024x1xf32, #tpu.memory_space<vmem>>) attributes {dimension_semantics = [], scalar_prefetch = 0 : i64, scratch_operands = 0 : i64, tpu.core_type = #tpu.core_type<tc>} {
    %get3A = arith.constant 0 : index
    %get3A_0 = arith.constant 0 : index
    %get3A_1 = vector.load %arg0[%get3A, %get3A_0] : memref<1x1xf32, #tpu.memory_space<vmem>>, vector<1x1xf32>
    %get3A_2 = vector.extract %get3A_1[0, 0] : f32 from vector<1x1xf32>
    %add3A = arith.constant 1.000000e+00 : f32
    %add3A_3 = arith.addf %get3A_2, %add3A : f32
    %get3A_4 = arith.constant 0 : index
    %get3A_5 = arith.constant 0 : index
    %get3A_6 = vector.load %arg11[%get3A_4, %get3A_5] : memref<1024x1xf32, #tpu.memory_space<vmem>>, vector<1024x1xf32>
    %mul3A = vector.broadcast %add3A_3 : f32 to vector<1024x1xf32>
    %mul3A_7 = arith.mulf %get3A_6, %mul3A : vector<1024x1xf32>
    %get3A_8 = arith.constant 0 : index
    %get3A_9 = arith.constant 0 : index
    %get3A_10 = vector.load %arg12[%get3A_8, %get3A_9] : memref<1x1024xf32, #tpu.memory_space<vmem>>, vector<1x1024xf32>
    %mul3A_11 = vector.broadcast %add3A_3 : f32 to vector<1x1024xf32>
    %mul3A_12 = arith.mulf %get3A_10, %mul3A_11 : vector<1x1024xf32>
    %get3A_13 = arith.constant 0 : index
    %get3A_14 = arith.constant 0 : index
    %get3A_15 = vector.load %arg3[%get3A_13, %get3A_14] : memref<1024x1xf32, #tpu.memory_space<vmem>>, vector<1024x1xf32>
    %add3A_16 = arith.addf %get3A_15, %mul3A_7 : vector<1024x1xf32>
    %get3A_17 = arith.constant 0 : index
    %get3A_18 = arith.constant 0 : index
    %get3A_19 = vector.load %arg4[%get3A_17, %get3A_18] : memref<1024x1xf32, #tpu.memory_space<vmem>>, vector<1024x1xf32>
    %add3A_20 = arith.addf %get3A_19, %mul3A_7 : vector<1024x1xf32>
    %get3A_21 = arith.constant 0 : index
    %get3A_22 = arith.constant 0 : index
    %get3A_23 = vector.load %arg5[%get3A_21, %get3A_22] : memref<1024x1xf32, #tpu.memory_space<vmem>>, vector<1024x1xf32>
    %add3A_24 = arith.addf %get3A_23, %mul3A_7 : vector<1024x1xf32>
    %get3A_25 = arith.constant 0 : index
    %get3A_26 = arith.constant 0 : index
    %get3A_27 = vector.load %arg6[%get3A_25, %get3A_26] : memref<1024x1xf32, #tpu.memory_space<vmem>>, vector<1024x1xf32>
    %add3A_28 = arith.addf %get3A_27, %mul3A_7 : vector<1024x1xf32>
    %get3A_29 = arith.constant 0 : index
    %get3A_30 = arith.constant 0 : index
    %get3A_31 = vector.load %arg7[%get3A_29, %get3A_30] : memref<1x1024xf32, #tpu.memory_space<vmem>>, vector<1x1024xf32>
    %add3A_32 = arith.addf %get3A_31, %mul3A_12 : vector<1x1024xf32>
    %get3A_33 = arith.constant 0 : index
    %get3A_34 = arith.constant 0 : index
    %get3A_35 = vector.load %arg8[%get3A_33, %get3A_34] : memref<1x1024xf32, #tpu.memory_space<vmem>>, vector<1x1024xf32>
    %add3A_36 = arith.addf %get3A_35, %mul3A_12 : vector<1x1024xf32>
    %get3A_37 = arith.constant 0 : index
    %get3A_38 = arith.constant 0 : index
    %get3A_39 = vector.load %arg9[%get3A_37, %get3A_38] : memref<1x1024xf32, #tpu.memory_space<vmem>>, vector<1x1024xf32>
    %add3A_40 = arith.addf %get3A_39, %mul3A_12 : vector<1x1024xf32>
    %get3A_41 = arith.constant 0 : index
    %get3A_42 = arith.constant 0 : index
    %get3A_43 = vector.load %arg10[%get3A_41, %get3A_42] : memref<1x1024xf32, #tpu.memory_space<vmem>>, vector<1x1024xf32>
    %add3A_44 = arith.addf %get3A_43, %mul3A_12 : vector<1x1024xf32>
    %sub3A = arith.subf %add3A_24, %add3A_16 : vector<1024x1xf32>
    %sub3A_45 = arith.subf %add3A_28, %add3A_20 : vector<1024x1xf32>
    %mul3A_46 = arith.mulf %sub3A, %sub3A_45 : vector<1024x1xf32>
    %sub3A_47 = arith.subf %add3A_40, %add3A_32 : vector<1x1024xf32>
    %sub3A_48 = arith.subf %add3A_44, %add3A_36 : vector<1x1024xf32>
    %mul3A_49 = arith.mulf %sub3A_47, %sub3A_48 : vector<1x1024xf32>
    %min3A = vector.broadcast %add3A_24 : vector<1024x1xf32> to vector<1024x1024xf32>
    %min3A_50 = vector.broadcast %add3A_40 : vector<1x1024xf32> to vector<1024x1024xf32>
    %min3A_51 = arith.minimumf %min3A, %min3A_50 : vector<1024x1024xf32>
    %max3A = vector.broadcast %add3A_16 : vector<1024x1xf32> to vector<1024x1024xf32>
    %max3A_52 = vector.broadcast %add3A_32 : vector<1x1024xf32> to vector<1024x1024xf32>
    %max3A_53 = arith.maximumf %max3A, %max3A_52 : vector<1024x1024xf32>
    %sub3A_54 = arith.subf %min3A_51, %max3A_53 : vector<1024x1024xf32>
    %max3A_55 = arith.constant 0.000000e+00 : f32
    %max3A_56 = vector.broadcast %max3A_55 : f32 to vector<1024x1024xf32>
    %max3A_57 = arith.maximumf %sub3A_54, %max3A_56 : vector<1024x1024xf32>
    %min3A_58 = vector.broadcast %add3A_28 : vector<1024x1xf32> to vector<1024x1024xf32>
    %min3A_59 = vector.broadcast %add3A_44 : vector<1x1024xf32> to vector<1024x1024xf32>
    %min3A_60 = arith.minimumf %min3A_58, %min3A_59 : vector<1024x1024xf32>
    %max3A_61 = vector.broadcast %add3A_20 : vector<1024x1xf32> to vector<1024x1024xf32>
    %max3A_62 = vector.broadcast %add3A_36 : vector<1x1024xf32> to vector<1024x1024xf32>
    %max3A_63 = arith.maximumf %max3A_61, %max3A_62 : vector<1024x1024xf32>
    %sub3A_64 = arith.subf %min3A_60, %max3A_63 : vector<1024x1024xf32>
    %max3A_65 = arith.constant 0.000000e+00 : f32
    %max3A_66 = vector.broadcast %max3A_65 : f32 to vector<1024x1024xf32>
    %max3A_67 = arith.maximumf %sub3A_64, %max3A_66 : vector<1024x1024xf32>
    %mul3A_68 = arith.mulf %max3A_57, %max3A_67 : vector<1024x1024xf32>
    %add3A_69 = vector.broadcast %mul3A_46 : vector<1024x1xf32> to vector<1024x1024xf32>
    %add3A_70 = vector.broadcast %mul3A_49 : vector<1x1024xf32> to vector<1024x1024xf32>
    %add3A_71 = arith.addf %add3A_69, %add3A_70 : vector<1024x1024xf32>
    %sub3A_72 = arith.subf %add3A_71, %mul3A_68 : vector<1024x1024xf32>
    %add3A_73 = arith.constant 9.99999971E-10 : f32
    %add3A_74 = vector.broadcast %add3A_73 : f32 to vector<1024x1024xf32>
    %add3A_75 = arith.addf %sub3A_72, %add3A_74 : vector<1024x1024xf32>
    %div3A = arith.divf %mul3A_68, %add3A_75 : vector<1024x1024xf32>
    %gt3A = arith.constant 5.000000e-01 : f32
    %gt3A_76 = vector.broadcast %gt3A : f32 to vector<1024x1024xf32>
    %gt3A_77 = arith.cmpf ogt, %div3A, %gt3A_76 : vector<1024x1024xf32>
    %get3A_78 = arith.constant 0 : index
    %get3A_79 = arith.constant 0 : index
    %get3A_80 = vector.load %arg1[%get3A_78, %get3A_79] : memref<1024x1xf32, #tpu.memory_space<vmem>>, vector<1024x1xf32>
    %get3A_81 = arith.constant 0 : index
    %get3A_82 = arith.constant 0 : index
    %get3A_83 = vector.load %arg2[%get3A_81, %get3A_82] : memref<1x1024xf32, #tpu.memory_space<vmem>>, vector<1x1024xf32>
    %get3A_84 = arith.constant 0 : index
    %get3A_85 = arith.constant 0 : index
    %get3A_86 = vector.load %arg13[%get3A_84, %get3A_85] : memref<1024x1xi32, #tpu.memory_space<vmem>>, vector<1024x1xi32>
    %get3A_87 = arith.constant 0 : index
    %get3A_88 = arith.constant 0 : index
    %get3A_89 = vector.load %arg14[%get3A_87, %get3A_88] : memref<1x1024xi32, #tpu.memory_space<vmem>>, vector<1x1024xi32>
    %gt3A_90 = vector.broadcast %get3A_80 : vector<1024x1xf32> to vector<1024x1024xf32>
    %gt3A_91 = vector.broadcast %get3A_83 : vector<1x1024xf32> to vector<1024x1024xf32>
    %gt3A_92 = arith.cmpf ogt, %gt3A_90, %gt3A_91 : vector<1024x1024xf32>
    %eq3A = vector.broadcast %get3A_80 : vector<1024x1xf32> to vector<1024x1024xf32>
    %eq3A_93 = vector.broadcast %get3A_83 : vector<1x1024xf32> to vector<1024x1024xf32>
    %eq3A_94 = arith.cmpf oeq, %eq3A, %eq3A_93 : vector<1024x1024xf32>
    %lt3A = vector.broadcast %get3A_86 : vector<1024x1xi32> to vector<1024x1024xi32>
    %lt3A_95 = vector.broadcast %get3A_89 : vector<1x1024xi32> to vector<1024x1024xi32>
    %lt3A_96 = arith.cmpi slt, %lt3A, %lt3A_95 : vector<1024x1024xi32>
    %and3A = arith.andi %eq3A_94, %lt3A_96 : vector<1024x1024xi1>
    %or3A = arith.ori %gt3A_92, %and3A : vector<1024x1024xi1>
    %gt3A_97 = vector.broadcast %get3A_83 : vector<1x1024xf32> to vector<1024x1024xf32>
    %gt3A_98 = vector.broadcast %get3A_80 : vector<1024x1xf32> to vector<1024x1024xf32>
    %gt3A_99 = arith.cmpf ogt, %gt3A_97, %gt3A_98 : vector<1024x1024xf32>
    %eq3A_100 = vector.broadcast %get3A_83 : vector<1x1024xf32> to vector<1024x1024xf32>
    %eq3A_101 = vector.broadcast %get3A_80 : vector<1024x1xf32> to vector<1024x1024xf32>
    %eq3A_102 = arith.cmpf oeq, %eq3A_100, %eq3A_101 : vector<1024x1024xf32>
    %lt3A_103 = vector.broadcast %get3A_89 : vector<1x1024xi32> to vector<1024x1024xi32>
    %lt3A_104 = vector.broadcast %get3A_86 : vector<1024x1xi32> to vector<1024x1024xi32>
    %lt3A_105 = arith.cmpi slt, %lt3A_103, %lt3A_104 : vector<1024x1024xi32>
    %and3A_106 = arith.andi %eq3A_102, %lt3A_105 : vector<1024x1024xi1>
    %or3A_107 = arith.ori %gt3A_99, %and3A_106 : vector<1024x1024xi1>
    %and3A_108 = arith.andi %gt3A_77, %or3A : vector<1024x1024xi1>
    %jit3A = arith.constant 1.000000e+00 : f32
    %jit3A_109 = arith.constant 0.000000e+00 : f32
    %broadcast_in_dim3A = vector.broadcast %jit3A : f32 to vector<1024x1024xf32>
    %broadcast_in_dim3A_110 = vector.broadcast %jit3A_109 : f32 to vector<1024x1024xf32>
    %select_n3A = arith.select %and3A_108, %broadcast_in_dim3A, %broadcast_in_dim3A_110 : vector<1024x1024xi1>, vector<1024x1024xf32>
    %and3A_111 = arith.andi %gt3A_77, %or3A_107 : vector<1024x1024xi1>
    %jit3A_112 = arith.constant 1.000000e+00 : f32
    %jit3A_113 = arith.constant 0.000000e+00 : f32
    %broadcast_in_dim3A_114 = vector.broadcast %jit3A_112 : f32 to vector<1024x1024xf32>
    %broadcast_in_dim3A_115 = vector.broadcast %jit3A_113 : f32 to vector<1024x1024xf32>
    %select_n3A_116 = arith.select %and3A_111, %broadcast_in_dim3A_114, %broadcast_in_dim3A_115 : vector<1024x1024xi1>, vector<1024x1024xf32>
    %gt3A_117 = arith.constant 0.000000e+00 : f32
    %gt3A_118 = vector.broadcast %gt3A_117 : f32 to vector<1024x1xf32>
    %gt3A_119 = arith.cmpf ogt, %get3A_80, %gt3A_118 : vector<1024x1xf32>
    %gt3A_120 = arith.constant 0.000000e+00 : f32
    %gt3A_121 = vector.broadcast %gt3A_120 : f32 to vector<1x1024xf32>
    %gt3A_122 = arith.cmpf ogt, %get3A_83, %gt3A_121 : vector<1x1024xf32>
    %jit3A_123 = arith.constant 1.000000e+00 : f32
    %jit3A_124 = arith.constant 0.000000e+00 : f32
    %broadcast_in_dim3A_125 = vector.broadcast %jit3A_123 : f32 to vector<1024x1xf32>
    %broadcast_in_dim3A_126 = vector.broadcast %jit3A_124 : f32 to vector<1024x1xf32>
    %select_n3A_127 = arith.select %gt3A_119, %broadcast_in_dim3A_125, %broadcast_in_dim3A_126 : vector<1024x1xi1>, vector<1024x1xf32>
    %while3A = arith.constant true
    %while3A_128 = arith.constant 0 : i32
    %while3A_129:3 = scf.while (%while3A_138 = %select_n3A_127, %while3A_139 = %while3A, %while3A_140 = %while3A_128) : (vector<1024x1xf32>, i1, i32) -> (vector<1024x1xf32>, i1, i32) {
      %lt3A_141 = arith.constant 1024 : i32
      %lt3A_142 = arith.cmpi slt, %while3A_140, %lt3A_141 : i32
      %and3A_143 = arith.andi %while3A_139, %lt3A_142 : i1
      scf.condition(%and3A_143) %while3A_138, %while3A_139, %while3A_140 : vector<1024x1xf32>, i1, i32
    } do {
    ^bb0(%while3A_138: vector<1024x1xf32>, %while3A_139: i1, %while3A_140: i32):
      %mul3A_141 = vector.broadcast %while3A_138 : vector<1024x1xf32> to vector<1024x1024xf32>
      %mul3A_142 = arith.mulf %select_n3A, %mul3A_141 : vector<1024x1024xf32>
      %reduce_sum3A = arith.constant dense<0.000000e+00> : vector<1024xf32>
      %reduce_sum3A_143 = vector.multi_reduction <add>, %mul3A_142, %reduce_sum3A [0] : vector<1024x1024xf32> to vector<1024xf32>
      %broadcast_in_dim3A_144 = vector.shape_cast %reduce_sum3A_143 : vector<1024xf32> to vector<1x1024xf32>
      %lt3A_145 = arith.constant 5.000000e-01 : f32
      %lt3A_146 = vector.broadcast %lt3A_145 : f32 to vector<1x1024xf32>
      %lt3A_147 = arith.cmpf olt, %broadcast_in_dim3A_144, %lt3A_146 : vector<1x1024xf32>
      %and3A_148 = arith.andi %gt3A_122, %lt3A_147 : vector<1x1024xi1>
      %jit3A_149 = arith.constant 1.000000e+00 : f32
      %jit3A_150 = arith.constant 0.000000e+00 : f32
      %broadcast_in_dim3A_151 = vector.broadcast %jit3A_149 : f32 to vector<1x1024xf32>
      %broadcast_in_dim3A_152 = vector.broadcast %jit3A_150 : f32 to vector<1x1024xf32>
      %select_n3A_153 = arith.select %and3A_148, %broadcast_in_dim3A_151, %broadcast_in_dim3A_152 : vector<1x1024xi1>, vector<1x1024xf32>
      %mul3A_154 = vector.broadcast %select_n3A_153 : vector<1x1024xf32> to vector<1024x1024xf32>
      %mul3A_155 = arith.mulf %select_n3A_116, %mul3A_154 : vector<1024x1024xf32>
      %reduce_sum3A_156 = arith.constant dense<0.000000e+00> : vector<1024xf32>
      %reduce_sum3A_157 = vector.multi_reduction <add>, %mul3A_155, %reduce_sum3A_156 [1] : vector<1024x1024xf32> to vector<1024xf32>
      %broadcast_in_dim3A_158 = vector.shape_cast %reduce_sum3A_157 : vector<1024xf32> to vector<1024x1xf32>
      %lt3A_159 = arith.constant 5.000000e-01 : f32
      %lt3A_160 = vector.broadcast %lt3A_159 : f32 to vector<1024x1xf32>
      %lt3A_161 = arith.cmpf olt, %broadcast_in_dim3A_158, %lt3A_160 : vector<1024x1xf32>
      %and3A_162 = arith.andi %gt3A_119, %lt3A_161 : vector<1024x1xi1>
      %jit3A_163 = arith.constant 1.000000e+00 : f32
      %jit3A_164 = arith.constant 0.000000e+00 : f32
      %broadcast_in_dim3A_165 = vector.broadcast %jit3A_163 : f32 to vector<1024x1xf32>
      %broadcast_in_dim3A_166 = vector.broadcast %jit3A_164 : f32 to vector<1024x1xf32>
      %select_n3A_167 = arith.select %and3A_162, %broadcast_in_dim3A_165, %broadcast_in_dim3A_166 : vector<1024x1xi1>, vector<1024x1xf32>
      %ne3A = arith.cmpf one, %select_n3A_167, %while3A_138 : vector<1024x1xf32>
      %reduce_or3A = arith.constant 1.000000e+00 : f32
      %reduce_or3A_168 = arith.constant 0.000000e+00 : f32
      %reduce_or3A_169 = vector.broadcast %reduce_or3A : f32 to vector<1024x1xf32>
      %reduce_or3A_170 = vector.broadcast %reduce_or3A_168 : f32 to vector<1024x1xf32>
      %reduce_or3A_171 = arith.select %ne3A, %reduce_or3A_169, %reduce_or3A_170 : vector<1024x1xi1>, vector<1024x1xf32>
      %reduce_or3A_172 = vector.shape_cast %reduce_or3A_171 : vector<1024x1xf32> to vector<1x1024x1xf32>
      %reduce_or3A_173 = arith.constant dense<0xFF800000> : vector<1xf32>
      %reduce_or3A_174 = vector.multi_reduction <maximumf>, %reduce_or3A_172, %reduce_or3A_173 [1, 2] : vector<1x1024x1xf32> to vector<1xf32>
      %reduce_or3A_175 = vector.shape_cast %reduce_or3A_174 : vector<1xf32> to vector<1x1x1xf32>
      %reduce_or3A_176 = vector.extract %reduce_or3A_175[0, 0, 0] : f32 from vector<1x1x1xf32>
      %reduce_or3A_177 = arith.constant 0.000000e+00 : f32
      %reduce_or3A_178 = arith.cmpf ogt, %reduce_or3A_176, %reduce_or3A_177 : f32
      %add3A_179 = arith.constant 1 : i32
      %add3A_180 = arith.addi %while3A_140, %add3A_179 : i32
      scf.yield %select_n3A_167, %reduce_or3A_178, %add3A_180 : vector<1024x1xf32>, i1, i32
    }
    %gt3A_130 = arith.constant 5.000000e-01 : f32
    %gt3A_131 = vector.broadcast %gt3A_130 : f32 to vector<1024x1xf32>
    %gt3A_132 = arith.cmpf ogt, %while3A_129#0, %gt3A_131 : vector<1024x1xf32>
    %jit3A_133 = arith.constant -1.000000e+00 : f32
    %broadcast_in_dim3A_134 = vector.broadcast %jit3A_133 : f32 to vector<1024x1xf32>
    %select_n3A_135 = arith.select %gt3A_132, %get3A_80, %broadcast_in_dim3A_134 : vector<1024x1xi1>, vector<1024x1xf32>
    %swap3A = arith.constant 0 : index
    %swap3A_136 = arith.constant 0 : index
    %swap3A_137 = vector.load %arg15[%swap3A, %swap3A_136] : memref<1024x1xf32, #tpu.memory_space<vmem>>, vector<1024x1xf32>
    tpu.vector_store %arg15[%swap3A, %swap3A_136], %select_n3A_135 {strides = array<i32>} : memref<1024x1xf32, #tpu.memory_space<vmem>>, vector<1024x1xf32>,
    return
  }
}

</mosaic_0001>

<sc_bundles>
// kernel: kernel.6.cloned.1.call-start
scs
__scs_entry_jumppad:
0x0: {  	(pc) =	sbr.rel $0x88, $3  }
0x1: {  	(tag) =	ssettag $0x0;
	lr =	simm.s32 $0x1  }
0x2: {  	[smem:$0x3F9C] =	sst lr;
	_ =	strace $0xD0000000  }
0x3: {  	_ = 	snop  }
0x4: {  	_ = 	snop  }
0x5: {  	_ = 	snop  }
0x6: {  	_ = 	snop  }
0x7: {  	_ = 	snop  }
__scs_overlays_trampoline_lowered:
0x8: {  	[smem:$0x3FAB] =	sst s0  }
0x9: {  	[smem:$0x3FAC] =	sst s1  }
0xa: {  	[smem:$0x3FAD] =	sst s2  }
0xb: {  	[smem:$0x3FAE] =	sst s3  }
0xc: {  	[smem:$0x3FAF] =	sst s4  }
0xd: {  	[smem:$0x3FB0] =	sst s5  }
0xe: {  	[smem:$0x3FB1] =	sst s6  }
0xf: {  	[smem:$0x3FB2] =	sst s7  }
0x10: {  	[smem:$0x3FB3] =	sst s8  }
0x11: {  	[smem:$0x3FB4] =	sst s9;
	s0 =	simm.s32 @!p0 $0x0  }
0x12: {  	s1 =	sld [smem:$0x3F9A];
	s0 =	simm.s32 @p0 $0x1  }
0x13: {  	[smem:$0x3FB5] =	sst s0;
	s0 =	simm.s32 @!p1 $0x0  }
0x14: {  	s2 =	sld [smem:$0x3F99];
	s0 =	simm.s32 @p1 $0x1  }
0x15: {  	[smem:$0x3FB6] =	sst s0;
	s0 =	simm.s32 @!p2 $0x0  }
0x16: {  	s3 =	sld [smem:$0x3FDB];
	s0 =	simm.s32 @p2 $0x1  }
0x17: {  	s4 =	simm.s32 $0x1BF5;
	[smem:$0x3FB8] =	sst s0  }
0x18: {  	s0 =	sld [smem:$0x3F9B];
	_ =	swait.ge [sflag:s4], $0x0  }
0x19: {  	s7 =	sld [smem:$0x3F9C]  }
0x1a: {  	s8 =	sadd.s32 $0xFFFFE003, lr  }
0x1b: {  	s9 =	sadd.s32 $0xFFFFFEF7, lr;
	s5 =	simm.s32 $0xFFFFFFFF;
	p2 =	slt.u32 s8, $0xFFFFF086  }
0x1c: {  	p1 =	slt.u32 s9, $0xF7A;
	s5 =	simm.s32 @!p2 $0x0  }
0x1d: {  	s5 =	simm.s32 @p1 $0x1;
	p0 =	seq.s32 s7, s2  }
0x1e: {  	s7 =	smul.u32 @!p0 $0xF7A, s2;
	p2 =	seq.s32 @!p0 s5, $0x0  }
0x1f: {  	s9 =	smul.u32 $0xF7A, s1;
	s8 =	simm.s32 @!p0 $0x1BF5;
	p2 =	por !p2, p0  }
0x20: {  	[sflag:s8] =	ssyncset.s32 @!p0 $0xFFFFF086;
	s6 =	sadd.s32 @!p0 s3, s7;
	s7 =	simm.s32 @!p0 $0x108  }
0x21: {  	s3 =	sadd.s32 s3, s9;
	s6 =	sadd.s32 @!p0 $0x88, s6;
	s7 =	simm.s32 @p2 $0x1082  }
0x22: {  	[simem:s7], [sflag:s8] =	dma.local @!p0 [hbm:s6], $0xF7A  }
0x23: {  	s9 =	sor.u32 $0xD0000000, s2;
	s6 =	simm.s32 $0x108;
	_ =	swait.ge @!p0 [sflag:s8], $0x0  }
0x24: {  	s3 =	sadd.s32 $0x88, s3;
	s6 =	simm.s32 @!p1 $0x1082;
	[sflag:s4] =	ssyncset.s32 $0xFFFFF086  }
0x25: {  	[simem:s6], [sflag:s4] =	dma.local [hbm:s3], $0xF7A  }
0x26: {  	[smem:$0x3F9C] =	sst s1;
	(tag) =	ssettag s2;
	_ =	strace s9  }
0x27: {  	s1 =	sld [smem:$0x3FAC]  }
0x28: {  	s2 =	sld [smem:$0x3FAD]  }
0x29: {  	s4 =	sld [smem:$0x3FAF]  }
0x2a: {  	p0 =	seq.s32 s5, $0x0;
	s5 =	sld [smem:$0x3FB0]  }
0x2b: {  	s6 =	sld [smem:$0x3FB1]  }
0x2c: {  	s7 =	sld [smem:$0x3FB2]  }
0x2d: {  	s3 =	simm.s32 $0x108;
	s8 =	sld [smem:$0x3FB3]  }
0x2e: {  	s3 =	simm.s32 @!p0 $0x1082;
	s9 =	sld [smem:$0x3FB4]  }
0x2f: {  	lr =	sadd.s32 s0, s3;
	s0 =	sld [smem:$0x3FAB]  }
0x30: {  	s3 =	sld [smem:$0x3FAE]  }
0x31: {  	[smem:$0x3FB7] =	sst s10  }
0x32: {  	s10 =	sld [smem:$0x3FB5];
	_ =	sdelay $0x3  }
0x33: {  	p0 =	seq.s32 s10, $0x1;
	s10 =	sld [smem:$0x3FB7];
	_ =	sdelay $0x3  }
0x34: {  	[smem:$0x3FB7] =	sst s10  }
0x35: {  	s10 =	sld [smem:$0x3FB6];
	_ =	sdelay $0x3  }
0x36: {  	p1 =	seq.s32 s10, $0x1;
	s10 =	sld [smem:$0x3FB7];
	_ =	sdelay $0x3  }
0x37: {  	[smem:$0x3FB7] =	sst s10  }
0x38: {  	s10 =	sld [smem:$0x3FB8]  }
0x39: {  	_ = 	snop;
	(pc) =	sbr.ind lr, $3  }
0x3a: {  	_ = 	snop  }
0x3b: {  	_ = 	snop  }
0x3c: {  	p2 =	seq.s32 s10, $0x1;
	s10 =	sld [smem:$0x3FB7]  }
0x3d: {  	_ =	shalt  }
0x3e: {  	_ =	shalt  }
0x3f: {  	_ =	shalt  }
0x40: {  	_ =	shalt  }
0x41: {  	_ =	shalt  }
0x42: {  	_ =	shalt  }
0x43: {  	_ =	shalt  }
0x44: {  	_ =	shalt  }
0x45: {  	_ =	shalt  }
0x46: {  	_ =	shalt  }
0x47: {  	_ =	shalt  }
0x48: {  	_ =	shalt  }
0x49: {  	_ =	shalt  }
0x4a: {  	_ =	shalt  }
0x4b: {  	_ =	shalt  }
0x4c: {  	_ =	shalt  }
0x4d: {  	_ =	shalt  }
0x4e: {  	_ =	shalt  }
0x4f: {  	_ =	shalt  }
0x50: {  	_ =	shalt  }
0x51: {  	_ =	shalt  }
0x52: {  	_ =	shalt  }
0x53: {  	_ =	shalt  }
0x54: {  	_ =	shalt  }
0x55: {  	_ =	shalt  }
0x56: {  	_ =	shalt  }
0x57: {  	_ =	shalt  }
0x58: {  	_ =	shalt  }
0x59: {  	_ =	shalt  }
0x5a: {  	_ =	shalt  }
0x5b: {  	_ =	shalt  }
0x5c: {  	_ =	shalt  }
0x5d: {  	_ =	shalt  }
0x5e: {  	_ =	shalt  }
0x5f: {  	_ =	shalt  }
0x60: {  	_ =	shalt  }
0x61: {  	_ =	shalt  }
0x62: {  	_ =	shalt  }
0x63: {  	_ =	shalt  }
0x64: {  	_ =	shalt  }
0x65: {  	_ =	shalt  }
0x66: {  	_ =	shalt  }
0x67: {  	_ =	shalt  }
0x68: {  	_ =	shalt  }
0x69: {  	_ =	shalt  }
0x6a: {  	_ =	shalt  }
0x6b: {  	_ =	shalt  }
0x6c: {  	_ =	shalt  }
0x6d: {  	_ =	shalt  }
0x6e: {  	_ =	shalt  }
0x6f: {  	_ =	shalt  }
0x70: {  	_ =	shalt  }
0x71: {  	_ =	shalt  }
0x72: {  	_ =	shalt  }
0x73: {  	_ =	shalt  }
0x74: {  	_ =	shalt  }
0x75: {  	_ =	shalt  }
0x76: {  	_ =	shalt  }
0x77: {  	_ =	shalt  }
0x78: {  	_ =	shalt  }
0x79: {  	_ =	shalt  }
0x7a: {  	_ =	shalt  }
0x7b: {  	_ =	shalt  }
0x7c: {  	_ =	shalt  }
0x7d: {  	_ =	shalt  }
0x7e: {  	_ =	shalt  }
0x7f: {  	_ =	shalt  }
0x80: {  	_ =	shalt  }
0x81: {  	_ =	shalt  }
0x82: {  	_ =	shalt  }
0x83: {  	_ =	shalt  }
0x84: {  	_ =	shalt  }
0x85: {  	_ =	shalt  }
0x86: {  	_ =	shalt  }
0x87: {  	_ =	shalt  }
.Lfunc_end0:
.L_simem_size_0:
called_computation_lowered:
.L_overlay_start_0:
0x88: {  	s2 =	sld [smem:$0x3FD9]  }
0x89: {  	s3 =	sld [smem:$0x3FFE];
	_ =	sdelay $0x1  }
0x8a: {  	s1 =	srdreg.scid  }
0x8b: {  	s0 =	sand.u32 $0x1, s1  }
0x8c: {  	s14 =	sshll.u32 s0, $0xA;
	s2 =	sadd.s32 s3, s2  }
0x8d: {  	s2 =	sadd.s32 s2, s14  }
0x8e: {  	[smem:$0x3FC3] =	sst s2  }
0x8f: {  	_ = 	snop  }
0x90: {  	s2 =	sld [smem:$0x3FD0];
	_ =	sdelay $0x2  }
0x91: {  	s15 =	simm.s32 $0xA;
	s4 =	simm.s32 $0x10  }
0x92: {  	[smem:s4], [sflag:s15] =	dma.local [hbm:s2], $0x1  }
0x93: {  	_ =	swait.eq [sflag:s15], $0x1  }
0x94: {  	s16 =	sld [smem:$0x10];
	[sflag:s15] =	ssyncset.done $0x0  }
0x95: {  	s17 =	sld [smem:$0x11];
	[sflag:s15] =	ssyncadd.s32 $0xFFFFFFFF  }
0x96: {  	s18 =	sld [smem:$0x12];
	(tm) =	ssettm $0x1  }
0x97: {  	s5 =	sld [smem:$0x3FFB];
	_ =	sdelay $0x3  }
0x98: {  	_ =	strace s5  }
0x99: {  	s5 =	sld [smem:$0x3FFC];
	_ =	sdelay $0x3  }
0x9a: {  	_ =	strace s5  }
0x9b: {  	s5 =	sld [smem:$0x3FFD];
	_ =	sdelay $0x3  }
0x9c: {  	_ =	strace s5  }
0x9d: {  	_ =	strace $0x8FFFFFFF  }
0x9e: {  	s19 =	sld [smem:$0x3FDB];
	_ =	sdelay $0x1  }
0x9f: {  	s6 =	simm.s32 $_scs_section_size  }
0xa0: {  	s7 =	simm.s32 $_size__tile_overlayer_lowered;
	s8 =	simm.s32 $_tile_overlayer_lowered  }
0xa1: {  	s22 =	simm.s32 $0x1BFF;
	s21 =	sshll.u32 s8, $0x1;
	s5 =	sadd.s32 s6, s19  }
0xa2: {  	s9 =	simm.s32 $0x0;
	s20 =	sshll.u32 s7, $0x1;
	s7 =	sadd.s32 s21, s5  }
0xa3: {  	[timem:s9], [sflag:s22] =	dma.local [hbm:s7], s20  }
0xa4: {  	_ =	swait.ge [sflag:s22], s20  }
0xa5: {  	s6 =	ssub.s32 $0x0, s20;
	[sflag:s22] =	ssyncset.done $0x0  }
0xa6: {  	[sflag:s22] =	ssyncadd.s32 s6;
	_ =	sdelay $0x1  }
0xa7: {  	s23 =	simm.s32 $0x1B8B  }
0xa8: {  	_ =	swait.ge [sflag:s23], $0x1  }
0xa9: {  	[sflag:s23] =	ssyncset.done $0x0  }
0xaa: {  	s25 =	simm.s32 $0x1B8E;
	s24 =	sld [smem:$0x3FFE];
	[sflag:s23] =	ssyncadd.s32 $0xFFFFFFFF  }
0xab: {  	s26 =	simm.s32 $execute0_lowered;
	[smem:$0x3FD2] =	sst s25  }
0xac: {  	s7 =	sshll.u32 s26, $0x1;
	_ =	strace $0x80000046;
	[dreg:$0x1] =	wrdreg $0xFFFFFFFF  }
0xad: {  	s28 =	simm.s32 $_size_execute0_lowered;
	s5 =	sadd.s32 s5, s7;
	[dreg:$0x0] =	wrdreg $0x0  }
0xae: {  	s7 =	sshll.u32 s28, $0x1;
	[dreg:$0x2] =	wrdreg s5  }
0xaf: {  	[dreg:$0x3] =	wrdreg s7  }
0xb0: {  	[dreg:$0x4] =	wrdreg $0xC0  }
0xb1: {  	_ =	task [dreg:s9], $0x5FFFF  }
0xb2: {  	[dreg:$0x1] =	wrdreg $0xFFFFFFFF  }
0xb3: {  	[dreg:$0x0] =	wrdreg $0x60  }
0xb4: {  	[dreg:$0x2] =	wrdreg s24  }
0xb5: {  	[dreg:$0x3] =	wrdreg s17  }
0xb6: {  	[dreg:$0x4] =	wrdreg s18  }
0xb7: {  	[dreg:$0x5] =	wrdreg s16  }
0xb8: {  	[dreg:$0x6] =	wrdreg $0x9  }
0xb9: {  	_ =	task.clear_ibuf [dreg:s9], $0x7FFFF;
	_ =	strace $0x90000046  }
0xba: {  	s29 =	simm.s32 $0x9;
	_ =	strace $0x80000048  }
0xbb: {  	_ =	swait.ge [sflag:s29], $0x1  }
0xbc: {  	[sflag:s29] =	ssyncadd.s32 $0xFFFFFFFF  }
0xbd: {  	_ =	strace $0x90000048  }
0xbe: {  	_ =	sfence  }
0xbf: {  	s30 =	sld [smem:$0x0];
	_ =	sdelay $0x2  }
0xc0: {  	s31 =	sshll.u32 s1, $0xD;
	s1 =	sshrl.u32 s1, $0x2  }
0xc1: {  	s3 =	sand.u32 $0x4000, s31;
	s1 =	sadd.s32 s1, s30  }
0xc2: {  	s0 =	sor.u32 s3, s0;
	s1 =	sshll.u32 s1, $0x11  }
0xc3: {  	s0 =	sor.u32 s1, s0  }
0xc4: {  	s0 =	sadd.s32 $0x8F2B, s0  }
0xc5: {  	[sflag:s0] =	ssyncadd.remote.s32 $0x1  }
0xc6: {  	_ =	sfence.sel $0xFFFF  }
0xc7: {  	[dreg:$0x0] =	wrdreg $0xFFFFFFFF;
	(pc) =	sbr.abs _section_cstart, $3  }
0xc8: {  	[dreg:$0x1] =	wrdreg $0xFFFFFFFF  }
0xc9: {  	_ =	task.clear_ibuf [dreg:s9], $0x2FFFF;
	_ =	strace $0x9FFFFFFF  }
0xca: {  	(tm) =	ssettm $0x7FFFFFFF  }
0xcb: {  	_ =	shalt  }
tec
execute0_lowered:
.L_overlay_start_1:
0x0: {  	(tag) =	ssettag $0x1  }
0x1: {  	s5 =	rddreg [dreg:$0x0]  }
0x2: {  	s1 =	rddreg [dreg:$0x1]  }
0x3: {  	s2 =	rddreg [dreg:$0x2]  }
0x4: {  	s6 =	rddreg [dreg:$0x3]  }
0x5: {  	s0 =	rddreg [dreg:$0x4];
	s4 =	simm.s32 $0x0;
	s7 =	srdreg.scid  }
0x6: {  	s3 =	stileid.u32;
	s15 =	simm.s32 $0x0;
	[smem:$0x7FF] =	sst s4  }
0x7: {  	s7 =	sand.u32 $0x1, s7;
	s8 =	sshll.u32 s3, $0x1;
	s13 =	smul.u32 $0x9C40, s3  }
0x8: {  	_ =	strace $0x80000047;
	s8 =	sor.u32 s7, s8;
	s14 =	smul.u32 $0x4E20, s7  }
0x9: {  	s10 =	ssub.s32 $0x2, s7;
	s9 =	sshll.u32 s8, $0xB;
	s11 =	smul.u32 $0x4E20, s8  }
0xa: {  	s12 =	sshrl.u32 s10, $0x1;
	s8 =	sshll.u32 s8, $0x1;
	s9 =	sadd.s32 s9, s5  }
0xb: {  	s10 =	ssub.s32 s10, s12;
	s6 =	sadd.s32 s6, s8;
	s12 =	simm.s32 $0x8F80  }
0xc: {  	s11 =	sshrl.u32 s11, $0x3;
	s7 =	sadd.s32 $0x13A00, s9;
	s8 =	smax.u32 s10, $0x1  }
0xd: {  	v0 =	vlaneseq.u32;
	s9 =	sadd.s32 s14, s13;
	s10 =	simm.s32 $0x1;
	s13 =	simm.s32 $0x4E80  }
0xe: {  	v3 =	vimm.s32 $0x0;
	v1 =	vmul.u32 $0x400, v0;
	v2 =	vor.u32 $0x4000, v0;
	s14 =	simm.s32 $0x9000;
	s5 =	sadd.s32 s5, s11;
	s11 =	simm.s32 $0x8F00  }
.LBB2_1:
0xf: {  	[tilespmem:s4], [sflag:$0x1] =	stream.linear.gather [hbm4b:s5+s4], $0x4E20, $0x38;
	[tilespmem:$0x9080] =	vst v63  }
0x10: {  	_ =	swait.ge [sflag:s10], $0x4E20  }
0x11: {  	[sflag:s10] =	ssyncset.done $0x0  }
0x12: {  	[sflag:s10] =	ssyncadd.s32 $0xFFFFB1E0  }
0x13: {  	[tilespmem:s11], [sflag:$0x1] =	stream.linear.gather [hbm4b:s1+s4], $0x80, $0x38;
	[tilespmem:$0x9080] =	vst v63  }
0x14: {  	_ =	swait.ge [sflag:s10], $0x80  }
0x15: {  	[sflag:s10] =	ssyncset.done $0x0  }
0x16: {  	[sflag:s10] =	ssyncadd.s32 $0xFFFFFF80  }
0x17: {  	[tilespmem:s12], [sflag:$0x1] =	stream.linear.gather [hbm4b:s2+s4], $0x80, $0x38;
	[tilespmem:$0x9080] =	vst v63  }
0x18: {  	_ =	swait.ge [sflag:s10], $0x80  }
0x19: {  	[sflag:s10] =	ssyncset.done $0x0  }
0x1a: {  	[sflag:s10] =	ssyncadd.s32 $0xFFFFFF80  }
0x1b: {  	v4 =	vld [tilespmem:$0x8F00]  }
0x1c: {  	s16 =	simm.s32 $0x0;
	v5 =	vld [tilespmem:$0x8F80]  }
0x1d: {  	v6 =	vld [tilespmem:s16+$0x0];
	_ =	sdelay $0x3  }
0x1e: {  	v7 =	vor.u32 s9, v0  }
0x1f: {  	vm0 =	veq.f32 v6, v4;
	vm1 =	vle.s32 v7, v5  }
0x20: {  	vm2 =	vgt.f32 v6, v4;
	vm0 =	vmand vm1, vm0  }
0x21: {  	v6 =	vadd.s32 v1, v3;
	vm0 =	vmor vm2, vm0  }
0x22: {  	v8 =	vsel vm0, v6, v2;
	_ =	sdelay $0x3  }
0x23: {  	v6 =	vsel vm0, $0x1, v3  }
0x24: {  	s18 =	simm.s32 $0x10;
	s17 =	simm.s32 $0x80;
	s16 =	smov.u32 s9;
	v6 =	vadd.s32 v6, v3;
	[tilespmem:v8+s13+$0x0] =	vst.idx.msk $0xffff, v7  }
.LBB2_2:
0x25: {  	p0 =	sne.s32 s17, $0x13840;
	v7 =	vld [tilespmem:s18+$0x0];
	_ =	sdelay $0x2  }
0x26: {  	s16 =	sadd.s32 $0x10, s16  }
0x27: {  	v8 =	vor.u32 s16, v0  }
0x28: {  	vm1 =	vle.s32 v8, v5;
	vm0 =	veq.f32 v7, v4  }
0x29: {  	vm2 =	vgt.f32 v7, v4;
	vm0 =	vmand vm1, vm0  }
0x2a: {  	v7 =	vadd.s32 v1, v6;
	vm0 =	vmor vm2, vm0  }
0x2b: {  	v7 =	vsel vm0, v7, v2;
	v9 =	vsel vm0, $0x1, v3  }
.Ltmp0:
0x2c: {  	v6 =	vadd.s32 v9, v6;
	(pc) =	sbr.rel @p0 .LBB2_2-.Ltmp0, $2  }
0x2d: {  	_ =	sdelay $0x2  }
0x2e: {  	s18 =	sshra.s32 s17, $0x2;
	s17 =	sadd.s32 $0x40, s17;
	[tilespmem:v7+s13+$0x0] =	vst.idx.msk $0xffff, v8  }
0x2f: {  	v7 =	vld [tilespmem:s18+$0x0];
	_ =	sdelay $0x2  }
0x30: {  	s16 =	sadd.s32 $0x10, s16  }
0x31: {  	v8 =	vor.u32 s16, v0  }
0x32: {  	vm1 =	vle.s32 v8, v5;
	vm0 =	veq.f32 v7, v4  }
0x33: {  	vm2 =	vgt.f32 v7, v4;
	vm0 =	vmand vm1, vm0  }
0x34: {  	v4 =	vadd.s32 v1, v6;
	vm0 =	vmor vm2, vm0  }
0x35: {  	v4 =	vsel vm0, v4, v2;
	_ =	sdelay $0x3  }
0x36: {  	v5 =	vsel vm0, $0x1, v3  }
0x37: {  	v5 =	vadd.s32 v5, v6;
	[tilespmem:v4+s13+$0x0] =	vst.idx.msk $0xffff, v8  }
0x38: {  	[tilespmem:$0x9000] =	vst v5  }
0x39: {  	[hbm4b:s6+s4] =	stream.linear.scatter [tilespmem:s14], [sflag:$0x1], $0x10, $0x38;
	[tilespmem:$0x9080] =	vst v63  }
0x3a: {  	s15 =	sadd.s32 $0x1, s15;
	_ =	swait.ge [sflag:s10], $0x10  }
0x3b: {  	p0 =	sne.s32 s15, s8;
	[sflag:s10] =	ssyncset.done $0x0  }
.Ltmp1:
0x3c: {  	[sflag:s10] =	ssyncadd.s32 $0xFFFFFFF0;
	(pc) =	sbr.rel @p0 .LBB2_1-.Ltmp1, $4  }
0x3d: {  	[hbm4b:s7+s4] =	stream.linear.scatter [tilespmem:s13], [sflag:$0x1], $0x4000, $0x38;
	[tilespmem:$0x9080] =	vst v63  }
0x3e: {  	_ =	swait.ge [sflag:s10], $0x4000  }
0x3f: {  	[sflag:s10] =	ssyncset.done $0x0  }
0x40: {  	[sflag:s10] =	ssyncadd.s32 $0xFFFFC000  }
0x41: {  	_ =	sfence.sel $0x180000  }
0x42: {  	[bflag:$0x0] =	sbarrier.arrive $0xFFFF  }
0x43: {  	p0 =	sne.s32 s3, $0x0;
	_ =	strace $0x90000047  }
0x44: {  	s0 =	sadd.s32 @!p0 $0x100000, s0;
	[bflag:$0x2] =	sbarrier.arrive $0xFFFF  }
0x45: {  	[sflag:s0] =	ssyncadd.tile.s32 @!p0 $0x1;
	_ =	shalt  }
.Lfunc_end2:
_tile_overlayer_lowered:
.L_overlay_start_2:
0x46: {  	(tag) =	ssettag $0x2  }
0x47: {  	s0 =	rddreg [dreg:$0x0];
	s2 =	stileid.u32  }
0x48: {  	s1 =	rddreg [dreg:$0x1];
	p0 =	sne.s32 s2, $0x0  }
0x49: {  	s3 =	rddreg [dreg:$0x2];
	[bflag:$0x3] =	sbarrier.arrive $0xFFFF;
	s2 =	simm.s32 @!p0 $0x1C01  }
0x4a: {  	[timem:s3], [sflag:s2] =	dma.local @!p0 [hbm:s0], s1  }
0x4b: {  	s0 =	simm.s32 @!p0 $0x1  }
0x4c: {  	_ =	swait.ge @!p0 [sflag:s0], s1  }
0x4d: {  	s1 =	ssub.s32 @!p0 $0x0, s1;
	[sflag:s0] =	ssyncset.done @!p0 $0x0  }
0x4e: {  	[sflag:s0] =	ssyncadd.s32 @!p0 s1  }
0x4f: {  	[bflag:$0x3] =	sbarrier.arrive $0xFFFF  }
0x50: {  	_ =	shalt  }

</sc_bundles>
